<compile_context>
chip_gen: v7x
topology: tpu7x:2x2x1
jax: 0.10.2.dev20260603
libtpu: 0.0.44.dev20260713+nightly
codegen_flags: <defaults>
</compile_context>

<pallas_src>
import functools

import jax
import jax.numpy as jnp
from jax import lax
from jax.experimental import pallas as pl
from jax.experimental.pallas import tpu as pltpu
from jax.experimental.pallas import tpu_sc as plsc

N = 10000
E = 320000
IN_DIM = 128
DIM = 128
NUM_HEAD = 8
HEAD_DIM = DIM // NUM_HEAD
SCALE = 1.0 / DIM ** 0.5

NC = 2
NS = 16
HGRP = 4
HCOLS = HGRP * HEAD_DIM

EPS = E // NS
CP = 50
SEGE = 400
NSEG = EPS // SEGE
NCHS = SEGE // CP
PAIRS = NCHS // 2
EROWS = E // CP
RPT = 624
TAIL = N - NS * RPT


def _proj_body(hc_ref, hp_ref, wqc_ref, wqp_ref, wk_ref, wv_ref,
               qt_ref, kvt_ref):
    hc = hc_ref[...]
    hp = hp_ref[...]
    qc = jnp.dot(hc, wqc_ref[...], preferred_element_type=jnp.float32) * SCALE
    qp = jnp.dot(hp, wqp_ref[...], preferred_element_type=jnp.float32) * SCALE
    k = jnp.dot(hc, wk_ref[...], preferred_element_type=jnp.float32)
    v = jnp.dot(hc, wv_ref[...], preferred_element_type=jnp.float32)
    qt_ref[0] = jnp.concatenate([qc[:, :HCOLS], qp[:, :HCOLS]], axis=1)
    qt_ref[1] = jnp.concatenate([qc[:, HCOLS:], qp[:, HCOLS:]], axis=1)
    kvt_ref[0] = jnp.concatenate([k[:, :HCOLS], v[:, :HCOLS]], axis=1)
    kvt_ref[1] = jnp.concatenate([k[:, HCOLS:], v[:, HCOLS:]], axis=1)


def _project(h_c, h_p, Wq_c, Wq_p, Wk, Wv):
    R = 1000
    grid = (N // R,)
    in_specs = [
        pl.BlockSpec((R, IN_DIM), lambda i: (i, 0)),
        pl.BlockSpec((R, IN_DIM), lambda i: (i, 0)),
    ] + [pl.BlockSpec((IN_DIM, DIM), lambda i: (0, 0))] * 4
    out_specs = [pl.BlockSpec((NC, R, DIM), lambda i: (0, i, 0))] * 2
    out_shape = [jax.ShapeDtypeStruct((NC, N, DIM), jnp.float32)] * 2
    return pl.pallas_call(
        _proj_body,
        grid=grid,
        in_specs=in_specs,
        out_specs=out_specs,
        out_shape=out_shape,
    )(h_c, h_p, Wq_c, Wq_p, Wk, Wv)


def _edge_body(src_ref, dst_ref, qt_ref, kvt_ref, out_ref,
               src_seg, dst_seg,
               qva, kvva, qvb, kvvb, ova, ovb, acc,
               semga, semgb, semsa, semsb):
    cid = lax.axis_index("c")
    sid = lax.axis_index("s")

    zeros16 = jnp.zeros((16,), jnp.float32)

    def zrow(r, carry):
        for j in range(DIM // 16):
            ova[r, pl.ds(j * 16, 16)] = zeros16
        return carry

    lax.fori_loop(0, CP, zrow, 0)
    row0 = sid * RPT
    for j in range(RPT // CP):
        pltpu.sync_copy(ova, acc.at[pl.ds(row0 + j * CP, CP)])
    pltpu.sync_copy(ova.at[pl.ds(0, RPT % CP)],
                    acc.at[pl.ds(row0 + (RPT // CP) * CP, RPT % CP)])

    @pl.when(sid == NS - 1)
    def _zero_tail():
        pltpu.sync_copy(ova.at[pl.ds(0, TAIL)], acc.at[pl.ds(NS * RPT, TAIL)])

    plsc.subcore_barrier()

    qt = qt_ref.at[cid]
    kvt = kvt_ref.at[cid]

    lanes = lax.iota(jnp.int32, 16)
    pidx = [lanes ^ 8, lanes ^ 4, lanes ^ 2, lanes ^ 1]
    fmask = [(lanes & 8) == 0, (lanes & 4) == 0, (lanes & 2) == 0]
    lane_of = (0, 8, 4, 12, 2, 10, 6, 14)
    bcast = [jnp.full((16,), lane_of[j], jnp.int32) for j in range(8)]
    dnums = lax.GatherDimensionNumbers(
        offset_dims=(), collapsed_slice_dims=(0,), start_index_map=(0,))

    def take(x, p):
        return lax.gather(x, p[:, None], dnums, (1,),
                          mode=lax.GatherScatterMode.PROMISE_IN_BOUNDS)

    def start_gathers(ci, kvb, qb, sem):
        pltpu.async_copy(kvt.at[src_seg.at[ci]], kvb, sem)
        pltpu.async_copy(qt.at[dst_seg.at[ci]], qb, sem)

    def wait_gathers(ci, kvb, qb, sem):
        pltpu.make_async_copy(kvt.at[src_seg.at[ci]], kvb, sem).wait()
        pltpu.make_async_copy(qt.at[dst_seg.at[ci]], qb, sem).wait()

    def fold(a, b, pv, m):
        return jnp.where(m, a + take(a, pv), b + take(b, pv))

    def compute(qb, kvb, ov):
        def edge_one(e, inner):
            prods = []
            vvs = []
            for h in range(HGRP):
                sl = pl.ds(h * HEAD_DIM, HEAD_DIM)
                slv = pl.ds(HCOLS + h * HEAD_DIM, HEAD_DIM)
                kk = kvb[e, sl]
                vvs.append(kvb[e, slv])
                prods.append(qb[e, sl] * kk)
                prods.append(qb[e, slv] * kk)
            v1 = [fold(prods[2 * i], prods[2 * i + 1], pidx[0], fmask[0])
                  for i in range(4)]
            v2 = [fold(v1[2 * i], v1[2 * i + 1], pidx[1], fmask[1])
                  for i in range(2)]
            x = fold(v2[0], v2[1], pidx[2], fmask[2])
            x = x + take(x, pidx[3])
            w = jnp.exp(jnp.clip(x, -5.0, 5.0))
            for h in range(HGRP):
                sl = pl.ds(h * HEAD_DIM, HEAD_DIM)
                slv = pl.ds(HCOLS + h * HEAD_DIM, HEAD_DIM)
                ov[e, sl] = vvs[h] * take(w, bcast[2 * h])
                ov[e, slv] = vvs[h] * take(w, bcast[2 * h + 1])
            return inner

        lax.fori_loop(0, CP, edge_one, 0)

    def seg_body(sg, carry):
        rowbase = sid * (EPS // CP) + sg * NCHS
        pltpu.sync_copy(src_ref.at[pl.ds(rowbase, NCHS)], src_seg)
        pltpu.sync_copy(dst_ref.at[pl.ds(rowbase, NCHS)], dst_seg)

        start_gathers(0, kvva, qva, semga)

        def pair(i2, c2):
            n = 2 * i2
            start_gathers(n + 1, kvvb, qvb, semgb)
            wait_gathers(n, kvva, qva, semga)

            @pl.when(i2 > 0)
            def _wsa():
                pltpu.make_async_copy(ova, acc.at[dst_seg.at[0]], semsa).wait()

            compute(qva, kvva, ova)
            pltpu.async_copy(ova, acc.at[dst_seg.at[n]], semsa, add=True)

            @pl.when(i2 < PAIRS - 1)
            def _prefetch_a():
                start_gathers(n + 2, kvva, qva, semga)

            wait_gathers(n + 1, kvvb, qvb, semgb)

            @pl.when(i2 > 0)
            def _wsb():
                pltpu.make_async_copy(ovb, acc.at[dst_seg.at[0]], semsb).wait()

            compute(qvb, kvvb, ovb)
            pltpu.async_copy(ovb, acc.at[dst_seg.at[n + 1]], semsb, add=True)
            return c2

        lax.fori_loop(0, PAIRS, pair, 0)
        pltpu.make_async_copy(ova, acc.at[dst_seg.at[0]], semsa).wait()
        pltpu.make_async_copy(ovb, acc.at[dst_seg.at[0]], semsb).wait()
        return carry

    lax.fori_loop(0, NSEG, seg_body, 0)
    plsc.subcore_barrier()

    pltpu.sync_copy(acc.at[pl.ds(row0, RPT)], out_ref.at[cid, pl.ds(row0, RPT)])

    @pl.when(sid == NS - 1)
    def _flush_tail():
        pltpu.sync_copy(acc.at[pl.ds(NS * RPT, TAIL)],
                        out_ref.at[cid, pl.ds(NS * RPT, TAIL)])


def _edge_attn(edge_index, qt, kvt):
    mesh = plsc.VectorSubcoreMesh(core_axis_name="c", subcore_axis_name="s")
    f = functools.partial(
        pl.kernel,
        out_type=jax.ShapeDtypeStruct((NC, N, DIM), jnp.float32),
        mesh=mesh,
        scratch_types=[
            pltpu.VMEM((NCHS, CP), jnp.int32),
            pltpu.VMEM((NCHS, CP), jnp.int32),
            pltpu.VMEM((CP, DIM), jnp.float32),
            pltpu.VMEM((CP, DIM), jnp.float32),
            pltpu.VMEM((CP, DIM), jnp.float32),
            pltpu.VMEM((CP, DIM), jnp.float32),
            pltpu.VMEM((CP, DIM), jnp.float32),
            pltpu.VMEM((CP, DIM), jnp.float32),
            pltpu.VMEM_SHARED((N, DIM), jnp.float32),
            pltpu.SemaphoreType.DMA,
            pltpu.SemaphoreType.DMA,
            pltpu.SemaphoreType.DMA,
            pltpu.SemaphoreType.DMA,
        ],
        compiler_params=pltpu.CompilerParams(needs_layout_passes=False),
    )(_edge_body)
    return f(edge_index[0].reshape(EROWS, CP), edge_index[1].reshape(EROWS, CP),
             qt, kvt)


def kernel(h_c, h_p, edge_index, Wq_c, Wq_p, Wk, Wv):
    qt, kvt = _project(h_c, h_p, Wq_c, Wq_p, Wk, Wv)
    o2 = _edge_attn(edge_index, qt, kvt)
    out_c = jnp.concatenate([o2[0, :, :HCOLS], o2[1, :, :HCOLS]], axis=1)
    out_p = jnp.concatenate([o2[0, :, HCOLS:], o2[1, :, HCOLS:]], axis=1)
    return out_c, out_p

# --- scband reference (transcript-rebuilt; emitter-appended) ---
"""Pipeline reference for scband-multi-head-attention-27522150432976 (READ-ONLY COPY).

The authoritative reference and input builder live on the scoring server;
editing this copy changes nothing except your own understanding.
"""

import jax, jax.numpy as jnp
import numpy as np

N = 10000
E = 320000
IN_DIM = 128
DIM = 128
NUM_HEAD = 8
HEAD_DIM = DIM // NUM_HEAD
SCALE = 1.0 / DIM ** 0.5


def setup_inputs(seed: int = 0) -> dict:
    key = jax.random.key(seed)
    ks = jax.random.split(key, 8)
    h_c = jax.random.normal(ks[0], (N, IN_DIM), dtype=jnp.float32)
    h_p = jax.random.normal(ks[1], (N, IN_DIM), dtype=jnp.float32)
    edge_index = jax.random.randint(ks[2], (2, E), 0, N, dtype=jnp.int32)
    Wq_c = jax.random.normal(ks[3], (IN_DIM, DIM), dtype=jnp.float32) * 0.05
    Wq_p = jax.random.normal(ks[4], (IN_DIM, DIM), dtype=jnp.float32) * 0.05
    Wk = jax.random.normal(ks[5], (IN_DIM, DIM), dtype=jnp.float32) * 0.05
    Wv = jax.random.normal(ks[6], (IN_DIM, DIM), dtype=jnp.float32) * 0.05
    return {"h_c": h_c, "h_p": h_p, "edge_index": edge_index,
            "Wq_c": Wq_c, "Wq_p": Wq_p, "Wk": Wk, "Wv": Wv}


def reference(h_c, h_p, edge_index, Wq_c, Wq_p, Wk, Wv):
    # Linear projections (bias=False)
    Q_c = (h_c @ Wq_c).reshape(-1, NUM_HEAD, HEAD_DIM)
    Q_p = (h_p @ Wq_p).reshape(-1, NUM_HEAD, HEAD_DIM)
    K = (h_c @ Wk).reshape(-1, NUM_HEAD, HEAD_DIM)
    V = (h_c @ Wv).reshape(-1, NUM_HEAD, HEAD_DIM)

    src = edge_index[0]
    dst = edge_index[1]

    # apply_edges: score = exp(clamp((Q_dst * K_src).sum(-1) * scale, -5, 5))
    K_src = K[src]          # (E, H, Dh) gather
    V_src = V[src]          # (E, H, Dh) gather
    score_c = jnp.exp(jnp.clip(jnp.sum(Q_c[dst] * K_src, axis=-1, keepdims=True) * SCALE, -5.0, 5.0))  # (E, H, 1)
    score_p = jnp.exp(jnp.clip(jnp.sum(Q_p[dst] * K_src, axis=-1, keepdims=True) * SCALE, -5.0, 5.0))  # (E, H, 1)

    # send_and_recv: u_mul_e then sum-reduce over incoming edges at dst
    SV_c = jax.ops.segment_sum(V_src * score_c, dst, num_segments=N)  # (N, H, Dh)
    SV_p = jax.ops.segment_sum(V_src * score_p, dst, num_segments=N)  # (N, H, Dh)

    out_c = SV_c.reshape(-1, NUM_HEAD * HEAD_DIM)
    out_p = SV_p.reshape(-1, NUM_HEAD * HEAD_DIM)
    return (out_c, out_p)

if __name__ == "__main__":
    import jax
    _d = setup_inputs()
    print(jax.jit(kernel)(*tuple(_d.values())))

</pallas_src>

<mosaic_0001>
#map = affine_map<(d0, d1) -> (0, 0)>
#map1 = affine_map<(d0, d1) -> (0, 0, 0)>
module attributes {stable_mosaic.version = 14 : i64} {
  func.func @_edge_body(%arg0: i32, %arg1: i32, %arg2: memref<6400x50xi32, #tpu.memory_space<hbm>>, %arg3: memref<6400x50xi32, #tpu.memory_space<hbm>>, %arg4: memref<2x10000x128xf32, #tpu.memory_space<hbm>>, %arg5: memref<2x10000x128xf32, #tpu.memory_space<hbm>>, %arg6: memref<2x10000x128xf32, #tpu.memory_space<hbm>>, %arg7: memref<8x50xi32, #tpu.memory_space<vmem>>, %arg8: memref<8x50xi32, #tpu.memory_space<vmem>>, %arg9: memref<50x128xf32, #tpu.memory_space<vmem>>, %arg10: memref<50x128xf32, #tpu.memory_space<vmem>>, %arg11: memref<50x128xf32, #tpu.memory_space<vmem>>, %arg12: memref<50x128xf32, #tpu.memory_space<vmem>>, %arg13: memref<50x128xf32, #tpu.memory_space<vmem>>, %arg14: memref<50x128xf32, #tpu.memory_space<vmem>>, %arg15: memref<10000x128xf32, #tpu.memory_space<vmem_shared>>, %arg16: memref<!tpu.dma_semaphore, #tpu.memory_space<semaphore_mem>>, %arg17: memref<!tpu.dma_semaphore, #tpu.memory_space<semaphore_mem>>, %arg18: memref<!tpu.dma_semaphore, #tpu.memory_space<semaphore_mem>>, %arg19: memref<!tpu.dma_semaphore, #tpu.memory_space<semaphore_mem>>) attributes {dimension_semantics = [#tpu.dimension_semantics<core_parallel>, #tpu.dimension_semantics<subcore_parallel>], iteration_bounds = array<i64: 2, 16>, scalar_prefetch = 0 : i64, scratch_operands = 13 : i64, tpu.core_type = #tpu.core_type<sc_vector_subcore>, window_params = [{transform_indices = #map}, {transform_indices = #map}, {transform_indices = #map1}, {transform_indices = #map1}, {transform_indices = #map1}]} {
    %broadcast_in_dim3A = arith.constant 0.000000e+00 : f32
    %broadcast_in_dim3A_0 = vector.broadcast %broadcast_in_dim3A : f32 to vector<16xf32>
    %scan3A = arith.constant 0 : i32
    %scan3A_1 = arith.constant 0 : i32
    %scan3A_2 = arith.constant 50 : i32
    %scan3A_3 = arith.addi %scan3A_1, %scan3A_2 : i32
    %scan3A_4 = arith.constant 1 : i32
    scf.for %scan3A_90 = %scan3A_1 to %scan3A_3 step %scan3A_4  : i32 {
      %swap3A = arith.index_cast %scan3A_90 : i32 to index
      %swap3A_91 = arith.constant 0 : index
      %swap3A_92 = tpu.vector_load %arg13[%swap3A, %swap3A_91] {strides = array<i32>} : memref<50x128xf32, #tpu.memory_space<vmem>>, vector<16xf32>,
      tpu.vector_store %arg13[%swap3A, %swap3A_91], %broadcast_in_dim3A_0 {strides = array<i32>} : memref<50x128xf32, #tpu.memory_space<vmem>>, vector<16xf32>,
      %swap3A_93 = arith.index_cast %scan3A_90 : i32 to index
      %swap3A_94 = arith.constant 16 : index
      %swap3A_95 = tpu.vector_load %arg13[%swap3A_93, %swap3A_94] {strides = array<i32>} : memref<50x128xf32, #tpu.memory_space<vmem>>, vector<16xf32>,
      tpu.vector_store %arg13[%swap3A_93, %swap3A_94], %broadcast_in_dim3A_0 {strides = array<i32>} : memref<50x128xf32, #tpu.memory_space<vmem>>, vector<16xf32>,
      %swap3A_96 = arith.index_cast %scan3A_90 : i32 to index
      %swap3A_97 = arith.constant 32 : index
      %swap3A_98 = tpu.vector_load %arg13[%swap3A_96, %swap3A_97] {strides = array<i32>} : memref<50x128xf32, #tpu.memory_space<vmem>>, vector<16xf32>,
      tpu.vector_store %arg13[%swap3A_96, %swap3A_97], %broadcast_in_dim3A_0 {strides = array<i32>} : memref<50x128xf32, #tpu.memory_space<vmem>>, vector<16xf32>,
      %swap3A_99 = arith.index_cast %scan3A_90 : i32 to index
      %swap3A_100 = arith.constant 48 : index
      %swap3A_101 = tpu.vector_load %arg13[%swap3A_99, %swap3A_100] {strides = array<i32>} : memref<50x128xf32, #tpu.memory_space<vmem>>, vector<16xf32>,
      tpu.vector_store %arg13[%swap3A_99, %swap3A_100], %broadcast_in_dim3A_0 {strides = array<i32>} : memref<50x128xf32, #tpu.memory_space<vmem>>, vector<16xf32>,
      %swap3A_102 = arith.index_cast %scan3A_90 : i32 to index
      %swap3A_103 = arith.constant 64 : index
      %swap3A_104 = tpu.vector_load %arg13[%swap3A_102, %swap3A_103] {strides = array<i32>} : memref<50x128xf32, #tpu.memory_space<vmem>>, vector<16xf32>,
      tpu.vector_store %arg13[%swap3A_102, %swap3A_103], %broadcast_in_dim3A_0 {strides = array<i32>} : memref<50x128xf32, #tpu.memory_space<vmem>>, vector<16xf32>,
      %swap3A_105 = arith.index_cast %scan3A_90 : i32 to index
      %swap3A_106 = arith.constant 80 : index
      %swap3A_107 = tpu.vector_load %arg13[%swap3A_105, %swap3A_106] {strides = array<i32>} : memref<50x128xf32, #tpu.memory_space<vmem>>, vector<16xf32>,
      tpu.vector_store %arg13[%swap3A_105, %swap3A_106], %broadcast_in_dim3A_0 {strides = array<i32>} : memref<50x128xf32, #tpu.memory_space<vmem>>, vector<16xf32>,
      %swap3A_108 = arith.index_cast %scan3A_90 : i32 to index
      %swap3A_109 = arith.constant 96 : index
      %swap3A_110 = tpu.vector_load %arg13[%swap3A_108, %swap3A_109] {strides = array<i32>} : memref<50x128xf32, #tpu.memory_space<vmem>>, vector<16xf32>,
      tpu.vector_store %arg13[%swap3A_108, %swap3A_109], %broadcast_in_dim3A_0 {strides = array<i32>} : memref<50x128xf32, #tpu.memory_space<vmem>>, vector<16xf32>,
      %swap3A_111 = arith.index_cast %scan3A_90 : i32 to index
      %swap3A_112 = arith.constant 112 : index
      %swap3A_113 = tpu.vector_load %arg13[%swap3A_111, %swap3A_112] {strides = array<i32>} : memref<50x128xf32, #tpu.memory_space<vmem>>, vector<16xf32>,
      tpu.vector_store %arg13[%swap3A_111, %swap3A_112], %broadcast_in_dim3A_0 {strides = array<i32>} : memref<50x128xf32, #tpu.memory_space<vmem>>, vector<16xf32>,
    }
    %scan3A_5 = arith.constant 50 : i32
    %mul3A = arith.constant 624 : i32
    %mul3A_6 = arith.muli %arg1, %mul3A : i32
    %add3A = arith.constant 0 : i32
    %add3A_7 = arith.addi %mul3A_6, %add3A : i32
    "tpu.region"() ({
      %run_scoped3A = tpu.sem_alloc : memref<!tpu.dma_semaphore, #tpu.memory_space<semaphore_mem>>
      %dma_start3A = arith.constant 0 : i32
      %dma_start3A_90 = tpu.memref_slice %arg15[%add3A_7, %dma_start3A] : memref<10000x128xf32, #tpu.memory_space<vmem_shared>> -> memref<50x128xf32, #tpu.memory_space<vmem_shared>>
      %dma_start3A_91 = arith.constant 0 : i32
      %dma_start3A_92 = tpu.memref_slice %arg15[%add3A_7, %dma_start3A_91] : memref<10000x128xf32, #tpu.memory_space<vmem_shared>> -> memref<50x128xf32, #tpu.memory_space<vmem_shared>>
      tpu.enqueue_dma source(%arg13 : memref<50x128xf32, #tpu.memory_space<vmem>>) target(%dma_start3A_92 : memref<50x128xf32, #tpu.memory_space<vmem_shared>>) target_semaphore(%run_scoped3A : memref<!tpu.dma_semaphore, #tpu.memory_space<semaphore_mem>>)
      %dma_wait3A = arith.constant 0 : i32
      %dma_wait3A_93 = tpu.memref_slice %arg15[%add3A_7, %dma_wait3A] : memref<10000x128xf32, #tpu.memory_space<vmem_shared>> -> memref<50x128xf32, #tpu.memory_space<vmem_shared>>
      %dma_wait3A_94 = arith.constant 0 : i32
      %dma_wait3A_95 = tpu.memref_slice %arg15[%add3A_7, %dma_wait3A_94] : memref<10000x128xf32, #tpu.memory_space<vmem_shared>> -> memref<50x128xf32, #tpu.memory_space<vmem_shared>>
      tpu.wait_dma2 semaphore(%run_scoped3A : memref<!tpu.dma_semaphore, #tpu.memory_space<semaphore_mem>>) src(%arg13 : memref<50x128xf32, #tpu.memory_space<vmem>>) dst(%dma_wait3A_95 : memref<50x128xf32, #tpu.memory_space<vmem_shared>>)
      tpu.yield
    }) : () -> ()
    %add3A_8 = arith.constant 50 : i32
    %add3A_9 = arith.addi %mul3A_6, %add3A_8 : i32
    "tpu.region"() ({
      %run_scoped3A = tpu.sem_alloc : memref<!tpu.dma_semaphore, #tpu.memory_space<semaphore_mem>>
      %dma_start3A = arith.constant 0 : i32
      %dma_start3A_90 = tpu.memref_slice %arg15[%add3A_9, %dma_start3A] : memref<10000x128xf32, #tpu.memory_space<vmem_shared>> -> memref<50x128xf32, #tpu.memory_space<vmem_shared>>
      %dma_start3A_91 = arith.constant 0 : i32
      %dma_start3A_92 = tpu.memref_slice %arg15[%add3A_9, %dma_start3A_91] : memref<10000x128xf32, #tpu.memory_space<vmem_shared>> -> memref<50x128xf32, #tpu.memory_space<vmem_shared>>
      tpu.enqueue_dma source(%arg13 : memref<50x128xf32, #tpu.memory_space<vmem>>) target(%dma_start3A_92 : memref<50x128xf32, #tpu.memory_space<vmem_shared>>) target_semaphore(%run_scoped3A : memref<!tpu.dma_semaphore, #tpu.memory_space<semaphore_mem>>)
      %dma_wait3A = arith.constant 0 : i32
      %dma_wait3A_93 = tpu.memref_slice %arg15[%add3A_9, %dma_wait3A] : memref<10000x128xf32, #tpu.memory_space<vmem_shared>> -> memref<50x128xf32, #tpu.memory_space<vmem_shared>>
      %dma_wait3A_94 = arith.constant 0 : i32
      %dma_wait3A_95 = tpu.memref_slice %arg15[%add3A_9, %dma_wait3A_94] : memref<10000x128xf32, #tpu.memory_space<vmem_shared>> -> memref<50x128xf32, #tpu.memory_space<vmem_shared>>
      tpu.wait_dma2 semaphore(%run_scoped3A : memref<!tpu.dma_semaphore, #tpu.memory_space<semaphore_mem>>) src(%arg13 : memref<50x128xf32, #tpu.memory_space<vmem>>) dst(%dma_wait3A_95 : memref<50x128xf32, #tpu.memory_space<vmem_shared>>)
      tpu.yield
    }) : () -> ()
    %add3A_10 = arith.constant 100 : i32
    %add3A_11 = arith.addi %mul3A_6, %add3A_10 : i32
    "tpu.region"() ({
      %run_scoped3A = tpu.sem_alloc : memref<!tpu.dma_semaphore, #tpu.memory_space<semaphore_mem>>
      %dma_start3A = arith.constant 0 : i32
      %dma_start3A_90 = tpu.memref_slice %arg15[%add3A_11, %dma_start3A] : memref<10000x128xf32, #tpu.memory_space<vmem_shared>> -> memref<50x128xf32, #tpu.memory_space<vmem_shared>>
      %dma_start3A_91 = arith.constant 0 : i32
      %dma_start3A_92 = tpu.memref_slice %arg15[%add3A_11, %dma_start3A_91] : memref<10000x128xf32, #tpu.memory_space<vmem_shared>> -> memref<50x128xf32, #tpu.memory_space<vmem_shared>>
      tpu.enqueue_dma source(%arg13 : memref<50x128xf32, #tpu.memory_space<vmem>>) target(%dma_start3A_92 : memref<50x128xf32, #tpu.memory_space<vmem_shared>>) target_semaphore(%run_scoped3A : memref<!tpu.dma_semaphore, #tpu.memory_space<semaphore_mem>>)
      %dma_wait3A = arith.constant 0 : i32
      %dma_wait3A_93 = tpu.memref_slice %arg15[%add3A_11, %dma_wait3A] : memref<10000x128xf32, #tpu.memory_space<vmem_shared>> -> memref<50x128xf32, #tpu.memory_space<vmem_shared>>
      %dma_wait3A_94 = arith.constant 0 : i32
      %dma_wait3A_95 = tpu.memref_slice %arg15[%add3A_11, %dma_wait3A_94] : memref<10000x128xf32, #tpu.memory_space<vmem_shared>> -> memref<50x128xf32, #tpu.memory_space<vmem_shared>>
      tpu.wait_dma2 semaphore(%run_scoped3A : memref<!tpu.dma_semaphore, #tpu.memory_space<semaphore_mem>>) src(%arg13 : memref<50x128xf32, #tpu.memory_space<vmem>>) dst(%dma_wait3A_95 : memref<50x128xf32, #tpu.memory_space<vmem_shared>>)
      tpu.yield
    }) : () -> ()
    %add3A_12 = arith.constant 150 : i32
    %add3A_13 = arith.addi %mul3A_6, %add3A_12 : i32
    "tpu.region"() ({
      %run_scoped3A = tpu.sem_alloc : memref<!tpu.dma_semaphore, #tpu.memory_space<semaphore_mem>>
      %dma_start3A = arith.constant 0 : i32
      %dma_start3A_90 = tpu.memref_slice %arg15[%add3A_13, %dma_start3A] : memref<10000x128xf32, #tpu.memory_space<vmem_shared>> -> memref<50x128xf32, #tpu.memory_space<vmem_shared>>
      %dma_start3A_91 = arith.constant 0 : i32
      %dma_start3A_92 = tpu.memref_slice %arg15[%add3A_13, %dma_start3A_91] : memref<10000x128xf32, #tpu.memory_space<vmem_shared>> -> memref<50x128xf32, #tpu.memory_space<vmem_shared>>
      tpu.enqueue_dma source(%arg13 : memref<50x128xf32, #tpu.memory_space<vmem>>) target(%dma_start3A_92 : memref<50x128xf32, #tpu.memory_space<vmem_shared>>) target_semaphore(%run_scoped3A : memref<!tpu.dma_semaphore, #tpu.memory_space<semaphore_mem>>)
      %dma_wait3A = arith.constant 0 : i32
      %dma_wait3A_93 = tpu.memref_slice %arg15[%add3A_13, %dma_wait3A] : memref<10000x128xf32, #tpu.memory_space<vmem_shared>> -> memref<50x128xf32, #tpu.memory_space<vmem_shared>>
      %dma_wait3A_94 = arith.constant 0 : i32
      %dma_wait3A_95 = tpu.memref_slice %arg15[%add3A_13, %dma_wait3A_94] : memref<10000x128xf32, #tpu.memory_space<vmem_shared>> -> memref<50x128xf32, #tpu.memory_space<vmem_shared>>
      tpu.wait_dma2 semaphore(%run_scoped3A : memref<!tpu.dma_semaphore, #tpu.memory_space<semaphore_mem>>) src(%arg13 : memref<50x128xf32, #tpu.memory_space<vmem>>) dst(%dma_wait3A_95 : memref<50x128xf32, #tpu.memory_space<vmem_shared>>)
      tpu.yield
    }) : () -> ()
    %add3A_14 = arith.constant 200 : i32
    %add3A_15 = arith.addi %mul3A_6, %add3A_14 : i32
    "tpu.region"() ({
      %run_scoped3A = tpu.sem_alloc : memref<!tpu.dma_semaphore, #tpu.memory_space<semaphore_mem>>
      %dma_start3A = arith.constant 0 : i32
      %dma_start3A_90 = tpu.memref_slice %arg15[%add3A_15, %dma_start3A] : memref<10000x128xf32, #tpu.memory_space<vmem_shared>> -> memref<50x128xf32, #tpu.memory_space<vmem_shared>>
      %dma_start3A_91 = arith.constant 0 : i32
      %dma_start3A_92 = tpu.memref_slice %arg15[%add3A_15, %dma_start3A_91] : memref<10000x128xf32, #tpu.memory_space<vmem_shared>> -> memref<50x128xf32, #tpu.memory_space<vmem_shared>>
      tpu.enqueue_dma source(%arg13 : memref<50x128xf32, #tpu.memory_space<vmem>>) target(%dma_start3A_92 : memref<50x128xf32, #tpu.memory_space<vmem_shared>>) target_semaphore(%run_scoped3A : memref<!tpu.dma_semaphore, #tpu.memory_space<semaphore_mem>>)
      %dma_wait3A = arith.constant 0 : i32
      %dma_wait3A_93 = tpu.memref_slice %arg15[%add3A_15, %dma_wait3A] : memref<10000x128xf32, #tpu.memory_space<vmem_shared>> -> memref<50x128xf32, #tpu.memory_space<vmem_shared>>
      %dma_wait3A_94 = arith.constant 0 : i32
      %dma_wait3A_95 = tpu.memref_slice %arg15[%add3A_15, %dma_wait3A_94] : memref<10000x128xf32, #tpu.memory_space<vmem_shared>> -> memref<50x128xf32, #tpu.memory_space<vmem_shared>>
      tpu.wait_dma2 semaphore(%run_scoped3A : memref<!tpu.dma_semaphore, #tpu.memory_space<semaphore_mem>>) src(%arg13 : memref<50x128xf32, #tpu.memory_space<vmem>>) dst(%dma_wait3A_95 : memref<50x128xf32, #tpu.memory_space<vmem_shared>>)
      tpu.yield
    }) : () -> ()
    %add3A_16 = arith.constant 250 : i32
    %add3A_17 = arith.addi %mul3A_6, %add3A_16 : i32
    "tpu.region"() ({
      %run_scoped3A = tpu.sem_alloc : memref<!tpu.dma_semaphore, #tpu.memory_space<semaphore_mem>>
      %dma_start3A = arith.constant 0 : i32
      %dma_start3A_90 = tpu.memref_slice %arg15[%add3A_17, %dma_start3A] : memref<10000x128xf32, #tpu.memory_space<vmem_shared>> -> memref<50x128xf32, #tpu.memory_space<vmem_shared>>
      %dma_start3A_91 = arith.constant 0 : i32
      %dma_start3A_92 = tpu.memref_slice %arg15[%add3A_17, %dma_start3A_91] : memref<10000x128xf32, #tpu.memory_space<vmem_shared>> -> memref<50x128xf32, #tpu.memory_space<vmem_shared>>
      tpu.enqueue_dma source(%arg13 : memref<50x128xf32, #tpu.memory_space<vmem>>) target(%dma_start3A_92 : memref<50x128xf32, #tpu.memory_space<vmem_shared>>) target_semaphore(%run_scoped3A : memref<!tpu.dma_semaphore, #tpu.memory_space<semaphore_mem>>)
      %dma_wait3A = arith.constant 0 : i32
      %dma_wait3A_93 = tpu.memref_slice %arg15[%add3A_17, %dma_wait3A] : memref<10000x128xf32, #tpu.memory_space<vmem_shared>> -> memref<50x128xf32, #tpu.memory_space<vmem_shared>>
      %dma_wait3A_94 = arith.constant 0 : i32
      %dma_wait3A_95 = tpu.memref_slice %arg15[%add3A_17, %dma_wait3A_94] : memref<10000x128xf32, #tpu.memory_space<vmem_shared>> -> memref<50x128xf32, #tpu.memory_space<vmem_shared>>
      tpu.wait_dma2 semaphore(%run_scoped3A : memref<!tpu.dma_semaphore, #tpu.memory_space<semaphore_mem>>) src(%arg13 : memref<50x128xf32, #tpu.memory_space<vmem>>) dst(%dma_wait3A_95 : memref<50x128xf32, #tpu.memory_space<vmem_shared>>)
      tpu.yield
    }) : () -> ()
    %add3A_18 = arith.constant 300 : i32
    %add3A_19 = arith.addi %mul3A_6, %add3A_18 : i32
    "tpu.region"() ({
      %run_scoped3A = tpu.sem_alloc : memref<!tpu.dma_semaphore, #tpu.memory_space<semaphore_mem>>
      %dma_start3A = arith.constant 0 : i32
      %dma_start3A_90 = tpu.memref_slice %arg15[%add3A_19, %dma_start3A] : memref<10000x128xf32, #tpu.memory_space<vmem_shared>> -> memref<50x128xf32, #tpu.memory_space<vmem_shared>>
      %dma_start3A_91 = arith.constant 0 : i32
      %dma_start3A_92 = tpu.memref_slice %arg15[%add3A_19, %dma_start3A_91] : memref<10000x128xf32, #tpu.memory_space<vmem_shared>> -> memref<50x128xf32, #tpu.memory_space<vmem_shared>>
      tpu.enqueue_dma source(%arg13 : memref<50x128xf32, #tpu.memory_space<vmem>>) target(%dma_start3A_92 : memref<50x128xf32, #tpu.memory_space<vmem_shared>>) target_semaphore(%run_scoped3A : memref<!tpu.dma_semaphore, #tpu.memory_space<semaphore_mem>>)
      %dma_wait3A = arith.constant 0 : i32
      %dma_wait3A_93 = tpu.memref_slice %arg15[%add3A_19, %dma_wait3A] : memref<10000x128xf32, #tpu.memory_space<vmem_shared>> -> memref<50x128xf32, #tpu.memory_space<vmem_shared>>
      %dma_wait3A_94 = arith.constant 0 : i32
      %dma_wait3A_95 = tpu.memref_slice %arg15[%add3A_19, %dma_wait3A_94] : memref<10000x128xf32, #tpu.memory_space<vmem_shared>> -> memref<50x128xf32, #tpu.memory_space<vmem_shared>>
      tpu.wait_dma2 semaphore(%run_scoped3A : memref<!tpu.dma_semaphore, #tpu.memory_space<semaphore_mem>>) src(%arg13 : memref<50x128xf32, #tpu.memory_space<vmem>>) dst(%dma_wait3A_95 : memref<50x128xf32, #tpu.memory_space<vmem_shared>>)
      tpu.yield
    }) : () -> ()
    %add3A_20 = arith.constant 350 : i32
    %add3A_21 = arith.addi %mul3A_6, %add3A_20 : i32
    "tpu.region"() ({
      %run_scoped3A = tpu.sem_alloc : memref<!tpu.dma_semaphore, #tpu.memory_space<semaphore_mem>>
      %dma_start3A = arith.constant 0 : i32
      %dma_start3A_90 = tpu.memref_slice %arg15[%add3A_21, %dma_start3A] : memref<10000x128xf32, #tpu.memory_space<vmem_shared>> -> memref<50x128xf32, #tpu.memory_space<vmem_shared>>
      %dma_start3A_91 = arith.constant 0 : i32
      %dma_start3A_92 = tpu.memref_slice %arg15[%add3A_21, %dma_start3A_91] : memref<10000x128xf32, #tpu.memory_space<vmem_shared>> -> memref<50x128xf32, #tpu.memory_space<vmem_shared>>
      tpu.enqueue_dma source(%arg13 : memref<50x128xf32, #tpu.memory_space<vmem>>) target(%dma_start3A_92 : memref<50x128xf32, #tpu.memory_space<vmem_shared>>) target_semaphore(%run_scoped3A : memref<!tpu.dma_semaphore, #tpu.memory_space<semaphore_mem>>)
      %dma_wait3A = arith.constant 0 : i32
      %dma_wait3A_93 = tpu.memref_slice %arg15[%add3A_21, %dma_wait3A] : memref<10000x128xf32, #tpu.memory_space<vmem_shared>> -> memref<50x128xf32, #tpu.memory_space<vmem_shared>>
      %dma_wait3A_94 = arith.constant 0 : i32
      %dma_wait3A_95 = tpu.memref_slice %arg15[%add3A_21, %dma_wait3A_94] : memref<10000x128xf32, #tpu.memory_space<vmem_shared>> -> memref<50x128xf32, #tpu.memory_space<vmem_shared>>
      tpu.wait_dma2 semaphore(%run_scoped3A : memref<!tpu.dma_semaphore, #tpu.memory_space<semaphore_mem>>) src(%arg13 : memref<50x128xf32, #tpu.memory_space<vmem>>) dst(%dma_wait3A_95 : memref<50x128xf32, #tpu.memory_space<vmem_shared>>)
      tpu.yield
    }) : () -> ()
    %add3A_22 = arith.constant 400 : i32
    %add3A_23 = arith.addi %mul3A_6, %add3A_22 : i32
    "tpu.region"() ({
      %run_scoped3A = tpu.sem_alloc : memref<!tpu.dma_semaphore, #tpu.memory_space<semaphore_mem>>
      %dma_start3A = arith.constant 0 : i32
      %dma_start3A_90 = tpu.memref_slice %arg15[%add3A_23, %dma_start3A] : memref<10000x128xf32, #tpu.memory_space<vmem_shared>> -> memref<50x128xf32, #tpu.memory_space<vmem_shared>>
      %dma_start3A_91 = arith.constant 0 : i32
      %dma_start3A_92 = tpu.memref_slice %arg15[%add3A_23, %dma_start3A_91] : memref<10000x128xf32, #tpu.memory_space<vmem_shared>> -> memref<50x128xf32, #tpu.memory_space<vmem_shared>>
      tpu.enqueue_dma source(%arg13 : memref<50x128xf32, #tpu.memory_space<vmem>>) target(%dma_start3A_92 : memref<50x128xf32, #tpu.memory_space<vmem_shared>>) target_semaphore(%run_scoped3A : memref<!tpu.dma_semaphore, #tpu.memory_space<semaphore_mem>>)
      %dma_wait3A = arith.constant 0 : i32
      %dma_wait3A_93 = tpu.memref_slice %arg15[%add3A_23, %dma_wait3A] : memref<10000x128xf32, #tpu.memory_space<vmem_shared>> -> memref<50x128xf32, #tpu.memory_space<vmem_shared>>
      %dma_wait3A_94 = arith.constant 0 : i32
      %dma_wait3A_95 = tpu.memref_slice %arg15[%add3A_23, %dma_wait3A_94] : memref<10000x128xf32, #tpu.memory_space<vmem_shared>> -> memref<50x128xf32, #tpu.memory_space<vmem_shared>>
      tpu.wait_dma2 semaphore(%run_scoped3A : memref<!tpu.dma_semaphore, #tpu.memory_space<semaphore_mem>>) src(%arg13 : memref<50x128xf32, #tpu.memory_space<vmem>>) dst(%dma_wait3A_95 : memref<50x128xf32, #tpu.memory_space<vmem_shared>>)
      tpu.yield
    }) : () -> ()
    %add3A_24 = arith.constant 450 : i32
    %add3A_25 = arith.addi %mul3A_6, %add3A_24 : i32
    "tpu.region"() ({
      %run_scoped3A = tpu.sem_alloc : memref<!tpu.dma_semaphore, #tpu.memory_space<semaphore_mem>>
      %dma_start3A = arith.constant 0 : i32
      %dma_start3A_90 = tpu.memref_slice %arg15[%add3A_25, %dma_start3A] : memref<10000x128xf32, #tpu.memory_space<vmem_shared>> -> memref<50x128xf32, #tpu.memory_space<vmem_shared>>
      %dma_start3A_91 = arith.constant 0 : i32
      %dma_start3A_92 = tpu.memref_slice %arg15[%add3A_25, %dma_start3A_91] : memref<10000x128xf32, #tpu.memory_space<vmem_shared>> -> memref<50x128xf32, #tpu.memory_space<vmem_shared>>
      tpu.enqueue_dma source(%arg13 : memref<50x128xf32, #tpu.memory_space<vmem>>) target(%dma_start3A_92 : memref<50x128xf32, #tpu.memory_space<vmem_shared>>) target_semaphore(%run_scoped3A : memref<!tpu.dma_semaphore, #tpu.memory_space<semaphore_mem>>)
      %dma_wait3A = arith.constant 0 : i32
      %dma_wait3A_93 = tpu.memref_slice %arg15[%add3A_25, %dma_wait3A] : memref<10000x128xf32, #tpu.memory_space<vmem_shared>> -> memref<50x128xf32, #tpu.memory_space<vmem_shared>>
      %dma_wait3A_94 = arith.constant 0 : i32
      %dma_wait3A_95 = tpu.memref_slice %arg15[%add3A_25, %dma_wait3A_94] : memref<10000x128xf32, #tpu.memory_space<vmem_shared>> -> memref<50x128xf32, #tpu.memory_space<vmem_shared>>
      tpu.wait_dma2 semaphore(%run_scoped3A : memref<!tpu.dma_semaphore, #tpu.memory_space<semaphore_mem>>) src(%arg13 : memref<50x128xf32, #tpu.memory_space<vmem>>) dst(%dma_wait3A_95 : memref<50x128xf32, #tpu.memory_space<vmem_shared>>)
      tpu.yield
    }) : () -> ()
    %add3A_26 = arith.constant 500 : i32
    %add3A_27 = arith.addi %mul3A_6, %add3A_26 : i32
    "tpu.region"() ({
      %run_scoped3A = tpu.sem_alloc : memref<!tpu.dma_semaphore, #tpu.memory_space<semaphore_mem>>
      %dma_start3A = arith.constant 0 : i32
      %dma_start3A_90 = tpu.memref_slice %arg15[%add3A_27, %dma_start3A] : memref<10000x128xf32, #tpu.memory_space<vmem_shared>> -> memref<50x128xf32, #tpu.memory_space<vmem_shared>>
      %dma_start3A_91 = arith.constant 0 : i32
      %dma_start3A_92 = tpu.memref_slice %arg15[%add3A_27, %dma_start3A_91] : memref<10000x128xf32, #tpu.memory_space<vmem_shared>> -> memref<50x128xf32, #tpu.memory_space<vmem_shared>>
      tpu.enqueue_dma source(%arg13 : memref<50x128xf32, #tpu.memory_space<vmem>>) target(%dma_start3A_92 : memref<50x128xf32, #tpu.memory_space<vmem_shared>>) target_semaphore(%run_scoped3A : memref<!tpu.dma_semaphore, #tpu.memory_space<semaphore_mem>>)
      %dma_wait3A = arith.constant 0 : i32
      %dma_wait3A_93 = tpu.memref_slice %arg15[%add3A_27, %dma_wait3A] : memref<10000x128xf32, #tpu.memory_space<vmem_shared>> -> memref<50x128xf32, #tpu.memory_space<vmem_shared>>
      %dma_wait3A_94 = arith.constant 0 : i32
      %dma_wait3A_95 = tpu.memref_slice %arg15[%add3A_27, %dma_wait3A_94] : memref<10000x128xf32, #tpu.memory_space<vmem_shared>> -> memref<50x128xf32, #tpu.memory_space<vmem_shared>>
      tpu.wait_dma2 semaphore(%run_scoped3A : memref<!tpu.dma_semaphore, #tpu.memory_space<semaphore_mem>>) src(%arg13 : memref<50x128xf32, #tpu.memory_space<vmem>>) dst(%dma_wait3A_95 : memref<50x128xf32, #tpu.memory_space<vmem_shared>>)
      tpu.yield
    }) : () -> ()
    %add3A_28 = arith.constant 550 : i32
    %add3A_29 = arith.addi %mul3A_6, %add3A_28 : i32
    "tpu.region"() ({
      %run_scoped3A = tpu.sem_alloc : memref<!tpu.dma_semaphore, #tpu.memory_space<semaphore_mem>>
      %dma_start3A = arith.constant 0 : i32
      %dma_start3A_90 = tpu.memref_slice %arg15[%add3A_29, %dma_start3A] : memref<10000x128xf32, #tpu.memory_space<vmem_shared>> -> memref<50x128xf32, #tpu.memory_space<vmem_shared>>
      %dma_start3A_91 = arith.constant 0 : i32
      %dma_start3A_92 = tpu.memref_slice %arg15[%add3A_29, %dma_start3A_91] : memref<10000x128xf32, #tpu.memory_space<vmem_shared>> -> memref<50x128xf32, #tpu.memory_space<vmem_shared>>
      tpu.enqueue_dma source(%arg13 : memref<50x128xf32, #tpu.memory_space<vmem>>) target(%dma_start3A_92 : memref<50x128xf32, #tpu.memory_space<vmem_shared>>) target_semaphore(%run_scoped3A : memref<!tpu.dma_semaphore, #tpu.memory_space<semaphore_mem>>)
      %dma_wait3A = arith.constant 0 : i32
      %dma_wait3A_93 = tpu.memref_slice %arg15[%add3A_29, %dma_wait3A] : memref<10000x128xf32, #tpu.memory_space<vmem_shared>> -> memref<50x128xf32, #tpu.memory_space<vmem_shared>>
      %dma_wait3A_94 = arith.constant 0 : i32
      %dma_wait3A_95 = tpu.memref_slice %arg15[%add3A_29, %dma_wait3A_94] : memref<10000x128xf32, #tpu.memory_space<vmem_shared>> -> memref<50x128xf32, #tpu.memory_space<vmem_shared>>
      tpu.wait_dma2 semaphore(%run_scoped3A : memref<!tpu.dma_semaphore, #tpu.memory_space<semaphore_mem>>) src(%arg13 : memref<50x128xf32, #tpu.memory_space<vmem>>) dst(%dma_wait3A_95 : memref<50x128xf32, #tpu.memory_space<vmem_shared>>)
      tpu.yield
    }) : () -> ()
    %add3A_30 = arith.constant 600 : i32
    %add3A_31 = arith.addi %mul3A_6, %add3A_30 : i32
    "tpu.region"() ({
      %run_scoped3A = tpu.sem_alloc : memref<!tpu.dma_semaphore, #tpu.memory_space<semaphore_mem>>
      %dma_start3A = arith.constant 0 : i32
      %dma_start3A_90 = arith.constant 0 : i32
      %dma_start3A_91 = tpu.memref_slice %arg13[%dma_start3A, %dma_start3A_90] : memref<50x128xf32, #tpu.memory_space<vmem>> -> memref<24x128xf32, #tpu.memory_space<vmem>>
      %dma_start3A_92 = arith.constant 0 : i32
      %dma_start3A_93 = tpu.memref_slice %arg15[%add3A_31, %dma_start3A_92] : memref<10000x128xf32, #tpu.memory_space<vmem_shared>> -> memref<24x128xf32, #tpu.memory_space<vmem_shared>>
      %dma_start3A_94 = arith.constant 0 : i32
      %dma_start3A_95 = tpu.memref_slice %arg15[%add3A_31, %dma_start3A_94] : memref<10000x128xf32, #tpu.memory_space<vmem_shared>> -> memref<24x128xf32, #tpu.memory_space<vmem_shared>>
      %dma_start3A_96 = arith.constant 0 : i32
      %dma_start3A_97 = arith.constant 0 : i32
      %dma_start3A_98 = tpu.memref_slice %arg13[%dma_start3A_96, %dma_start3A_97] : memref<50x128xf32, #tpu.memory_space<vmem>> -> memref<24x128xf32, #tpu.memory_space<vmem>>
      tpu.enqueue_dma source(%dma_start3A_98 : memref<24x128xf32, #tpu.memory_space<vmem>>) target(%dma_start3A_95 : memref<24x128xf32, #tpu.memory_space<vmem_shared>>) target_semaphore(%run_scoped3A : memref<!tpu.dma_semaphore, #tpu.memory_space<semaphore_mem>>)
      %dma_wait3A = arith.constant 0 : i32
      %dma_wait3A_99 = arith.constant 0 : i32
      %dma_wait3A_100 = tpu.memref_slice %arg13[%dma_wait3A, %dma_wait3A_99] : memref<50x128xf32, #tpu.memory_space<vmem>> -> memref<24x128xf32, #tpu.memory_space<vmem>>
      %dma_wait3A_101 = arith.constant 0 : i32
      %dma_wait3A_102 = tpu.memref_slice %arg15[%add3A_31, %dma_wait3A_101] : memref<10000x128xf32, #tpu.memory_space<vmem_shared>> -> memref<24x128xf32, #tpu.memory_space<vmem_shared>>
      %dma_wait3A_103 = arith.constant 0 : i32
      %dma_wait3A_104 = tpu.memref_slice %arg15[%add3A_31, %dma_wait3A_103] : memref<10000x128xf32, #tpu.memory_space<vmem_shared>> -> memref<24x128xf32, #tpu.memory_space<vmem_shared>>
      %dma_wait3A_105 = arith.constant 0 : i32
      %dma_wait3A_106 = arith.constant 0 : i32
      %dma_wait3A_107 = tpu.memref_slice %arg13[%dma_wait3A_105, %dma_wait3A_106] : memref<50x128xf32, #tpu.memory_space<vmem>> -> memref<24x128xf32, #tpu.memory_space<vmem>>
      tpu.wait_dma2 semaphore(%run_scoped3A : memref<!tpu.dma_semaphore, #tpu.memory_space<semaphore_mem>>) src(%dma_wait3A_107 : memref<24x128xf32, #tpu.memory_space<vmem>>) dst(%dma_wait3A_104 : memref<24x128xf32, #tpu.memory_space<vmem_shared>>)
      tpu.yield
    }) : () -> ()
    %eq3A = arith.constant 15 : i32
    %eq3A_32 = arith.cmpi eq, %arg1, %eq3A : i32
    %convert_element_type3A = arith.extui %eq3A_32 : i1 to i32
    %cond3A = arith.constant 0 : i32
    %cond3A_33 = arith.cmpi ne, %convert_element_type3A, %cond3A : i32
    scf.if %cond3A_33 {
      "tpu.region"() ({
        %run_scoped3A = tpu.sem_alloc : memref<!tpu.dma_semaphore, #tpu.memory_space<semaphore_mem>>
        %dma_start3A = arith.constant 0 : i32
        %dma_start3A_90 = arith.constant 0 : i32
        %dma_start3A_91 = tpu.memref_slice %arg13[%dma_start3A, %dma_start3A_90] : memref<50x128xf32, #tpu.memory_space<vmem>> -> memref<16x128xf32, #tpu.memory_space<vmem>>
        %dma_start3A_92 = arith.constant 9984 : i32
        %dma_start3A_93 = arith.constant 0 : i32
        %dma_start3A_94 = tpu.memref_slice %arg15[%dma_start3A_92, %dma_start3A_93] : memref<10000x128xf32, #tpu.memory_space<vmem_shared>> -> memref<16x128xf32, #tpu.memory_space<vmem_shared>>
        %dma_start3A_95 = arith.constant 9984 : i32
        %dma_start3A_96 = arith.constant 0 : i32
        %dma_start3A_97 = tpu.memref_slice %arg15[%dma_start3A_95, %dma_start3A_96] : memref<10000x128xf32, #tpu.memory_space<vmem_shared>> -> memref<16x128xf32, #tpu.memory_space<vmem_shared>>
        %dma_start3A_98 = arith.constant 0 : i32
        %dma_start3A_99 = arith.constant 0 : i32
        %dma_start3A_100 = tpu.memref_slice %arg13[%dma_start3A_98, %dma_start3A_99] : memref<50x128xf32, #tpu.memory_space<vmem>> -> memref<16x128xf32, #tpu.memory_space<vmem>>
        tpu.enqueue_dma source(%dma_start3A_100 : memref<16x128xf32, #tpu.memory_space<vmem>>) target(%dma_start3A_97 : memref<16x128xf32, #tpu.memory_space<vmem_shared>>) target_semaphore(%run_scoped3A : memref<!tpu.dma_semaphore, #tpu.memory_space<semaphore_mem>>)
        %dma_wait3A = arith.constant 0 : i32
        %dma_wait3A_101 = arith.constant 0 : i32
        %dma_wait3A_102 = tpu.memref_slice %arg13[%dma_wait3A, %dma_wait3A_101] : memref<50x128xf32, #tpu.memory_space<vmem>> -> memref<16x128xf32, #tpu.memory_space<vmem>>
        %dma_wait3A_103 = arith.constant 9984 : i32
        %dma_wait3A_104 = arith.constant 0 : i32
        %dma_wait3A_105 = tpu.memref_slice %arg15[%dma_wait3A_103, %dma_wait3A_104] : memref<10000x128xf32, #tpu.memory_space<vmem_shared>> -> memref<16x128xf32, #tpu.memory_space<vmem_shared>>
        %dma_wait3A_106 = arith.constant 9984 : i32
        %dma_wait3A_107 = arith.constant 0 : i32
        %dma_wait3A_108 = tpu.memref_slice %arg15[%dma_wait3A_106, %dma_wait3A_107] : memref<10000x128xf32, #tpu.memory_space<vmem_shared>> -> memref<16x128xf32, #tpu.memory_space<vmem_shared>>
        %dma_wait3A_109 = arith.constant 0 : i32
        %dma_wait3A_110 = arith.constant 0 : i32
        %dma_wait3A_111 = tpu.memref_slice %arg13[%dma_wait3A_109, %dma_wait3A_110] : memref<50x128xf32, #tpu.memory_space<vmem>> -> memref<16x128xf32, #tpu.memory_space<vmem>>
        tpu.wait_dma2 semaphore(%run_scoped3A : memref<!tpu.dma_semaphore, #tpu.memory_space<semaphore_mem>>) src(%dma_wait3A_111 : memref<16x128xf32, #tpu.memory_space<vmem>>) dst(%dma_wait3A_108 : memref<16x128xf32, #tpu.memory_space<vmem_shared>>)
        tpu.yield
      }) : () -> ()
    } else {
    }
    %barrier3A = arith.constant 0 : index
    tpu.barrier barrier_id(%barrier3A)
    %iota3A = tpu.iota {dimensions = array<i32: 0>} : vector<16xi32>
    %xor3A = arith.constant 8 : i32
    %xor3A_34 = vector.broadcast %xor3A : i32 to vector<16xi32>
    %xor3A_35 = arith.xori %iota3A, %xor3A_34 : vector<16xi32>
    %xor3A_36 = arith.constant 4 : i32
    %xor3A_37 = vector.broadcast %xor3A_36 : i32 to vector<16xi32>
    %xor3A_38 = arith.xori %iota3A, %xor3A_37 : vector<16xi32>
    %xor3A_39 = arith.constant 2 : i32
    %xor3A_40 = vector.broadcast %xor3A_39 : i32 to vector<16xi32>
    %xor3A_41 = arith.xori %iota3A, %xor3A_40 : vector<16xi32>
    %xor3A_42 = arith.constant 1 : i32
    %xor3A_43 = vector.broadcast %xor3A_42 : i32 to vector<16xi32>
    %xor3A_44 = arith.xori %iota3A, %xor3A_43 : vector<16xi32>
    %and3A = arith.constant 8 : i32
    %and3A_45 = vector.broadcast %and3A : i32 to vector<16xi32>
    %and3A_46 = arith.andi %iota3A, %and3A_45 : vector<16xi32>
    %eq3A_47 = arith.constant 0 : i32
    %eq3A_48 = vector.broadcast %eq3A_47 : i32 to vector<16xi32>
    %eq3A_49 = arith.cmpi eq, %and3A_46, %eq3A_48 : vector<16xi32>
    %and3A_50 = arith.constant 4 : i32
    %and3A_51 = vector.broadcast %and3A_50 : i32 to vector<16xi32>
    %and3A_52 = arith.andi %iota3A, %and3A_51 : vector<16xi32>
    %eq3A_53 = arith.constant 0 : i32
    %eq3A_54 = vector.broadcast %eq3A_53 : i32 to vector<16xi32>
    %eq3A_55 = arith.cmpi eq, %and3A_52, %eq3A_54 : vector<16xi32>
    %and3A_56 = arith.constant 2 : i32
    %and3A_57 = vector.broadcast %and3A_56 : i32 to vector<16xi32>
    %and3A_58 = arith.andi %iota3A, %and3A_57 : vector<16xi32>
    %eq3A_59 = arith.constant 0 : i32
    %eq3A_60 = vector.broadcast %eq3A_59 : i32 to vector<16xi32>
    %eq3A_61 = arith.cmpi eq, %and3A_58, %eq3A_60 : vector<16xi32>
    %broadcast_in_dim3A_62 = arith.constant 0 : i32
    %broadcast_in_dim3A_63 = vector.broadcast %broadcast_in_dim3A_62 : i32 to vector<16xi32>
    %broadcast_in_dim3A_64 = arith.constant 8 : i32
    %broadcast_in_dim3A_65 = vector.broadcast %broadcast_in_dim3A_64 : i32 to vector<16xi32>
    %broadcast_in_dim3A_66 = arith.constant 4 : i32
    %broadcast_in_dim3A_67 = vector.broadcast %broadcast_in_dim3A_66 : i32 to vector<16xi32>
    %broadcast_in_dim3A_68 = arith.constant 12 : i32
    %broadcast_in_dim3A_69 = vector.broadcast %broadcast_in_dim3A_68 : i32 to vector<16xi32>
    %broadcast_in_dim3A_70 = arith.constant 2 : i32
    %broadcast_in_dim3A_71 = vector.broadcast %broadcast_in_dim3A_70 : i32 to vector<16xi32>
    %broadcast_in_dim3A_72 = arith.constant 10 : i32
    %broadcast_in_dim3A_73 = vector.broadcast %broadcast_in_dim3A_72 : i32 to vector<16xi32>
    %broadcast_in_dim3A_74 = arith.constant 6 : i32
    %broadcast_in_dim3A_75 = vector.broadcast %broadcast_in_dim3A_74 : i32 to vector<16xi32>
    %broadcast_in_dim3A_76 = arith.constant 14 : i32
    %broadcast_in_dim3A_77 = vector.broadcast %broadcast_in_dim3A_76 : i32 to vector<16xi32>
    %scan3A_78 = arith.constant 0 : i32
    %scan3A_79 = arith.constant 0 : i32
    %scan3A_80 = arith.constant 50 : i32
    %scan3A_81 = arith.addi %scan3A_79, %scan3A_80 : i32
    %scan3A_82 = arith.constant 1 : i32
    scf.for %scan3A_90 = %scan3A_79 to %scan3A_81 step %scan3A_82  : i32 {
      %mul3A_91 = arith.constant 400 : i32
      %mul3A_92 = arith.muli %arg1, %mul3A_91 : i32
      %mul3A_93 = arith.constant 8 : i32
      %mul3A_94 = arith.muli %scan3A_90, %mul3A_93 : i32
      %add3A_95 = arith.addi %mul3A_92, %mul3A_94 : i32
      "tpu.region"() ({
        %run_scoped3A = tpu.sem_alloc : memref<!tpu.dma_semaphore, #tpu.memory_space<semaphore_mem>>
        %dma_start3A_136 = arith.constant 0 : i32
        %dma_start3A_137 = tpu.memref_slice %arg2[%add3A_95, %dma_start3A_136] : memref<6400x50xi32, #tpu.memory_space<hbm>> -> memref<8x50xi32, #tpu.memory_space<hbm>>
        %dma_start3A_138 = arith.constant 0 : i32
        %dma_start3A_139 = tpu.memref_slice %arg2[%add3A_95, %dma_start3A_138] : memref<6400x50xi32, #tpu.memory_space<hbm>> -> memref<8x50xi32, #tpu.memory_space<hbm>>
        tpu.enqueue_dma source(%dma_start3A_139 : memref<8x50xi32, #tpu.memory_space<hbm>>) target(%arg7 : memref<8x50xi32, #tpu.memory_space<vmem>>) target_semaphore(%run_scoped3A : memref<!tpu.dma_semaphore, #tpu.memory_space<semaphore_mem>>)
        %dma_wait3A_140 = arith.constant 0 : i32
        %dma_wait3A_141 = tpu.memref_slice %arg2[%add3A_95, %dma_wait3A_140] : memref<6400x50xi32, #tpu.memory_space<hbm>> -> memref<8x50xi32, #tpu.memory_space<hbm>>
        %dma_wait3A_142 = arith.constant 0 : i32
        %dma_wait3A_143 = tpu.memref_slice %arg2[%add3A_95, %dma_wait3A_142] : memref<6400x50xi32, #tpu.memory_space<hbm>> -> memref<8x50xi32, #tpu.memory_space<hbm>>
        tpu.wait_dma2 semaphore(%run_scoped3A : memref<!tpu.dma_semaphore, #tpu.memory_space<semaphore_mem>>) src(%dma_wait3A_143 : memref<8x50xi32, #tpu.memory_space<hbm>>) dst(%arg7 : memref<8x50xi32, #tpu.memory_space<vmem>>)
        tpu.yield
      }) : () -> ()
      "tpu.region"() ({
        %run_scoped3A = tpu.sem_alloc : memref<!tpu.dma_semaphore, #tpu.memory_space<semaphore_mem>>
        %dma_start3A_136 = arith.constant 0 : i32
        %dma_start3A_137 = tpu.memref_slice %arg3[%add3A_95, %dma_start3A_136] : memref<6400x50xi32, #tpu.memory_space<hbm>> -> memref<8x50xi32, #tpu.memory_space<hbm>>
        %dma_start3A_138 = arith.constant 0 : i32
        %dma_start3A_139 = tpu.memref_slice %arg3[%add3A_95, %dma_start3A_138] : memref<6400x50xi32, #tpu.memory_space<hbm>> -> memref<8x50xi32, #tpu.memory_space<hbm>>
        tpu.enqueue_dma source(%dma_start3A_139 : memref<8x50xi32, #tpu.memory_space<hbm>>) target(%arg8 : memref<8x50xi32, #tpu.memory_space<vmem>>) target_semaphore(%run_scoped3A : memref<!tpu.dma_semaphore, #tpu.memory_space<semaphore_mem>>)
        %dma_wait3A_140 = arith.constant 0 : i32
        %dma_wait3A_141 = tpu.memref_slice %arg3[%add3A_95, %dma_wait3A_140] : memref<6400x50xi32, #tpu.memory_space<hbm>> -> memref<8x50xi32, #tpu.memory_space<hbm>>
        %dma_wait3A_142 = arith.constant 0 : i32
        %dma_wait3A_143 = tpu.memref_slice %arg3[%add3A_95, %dma_wait3A_142] : memref<6400x50xi32, #tpu.memory_space<hbm>> -> memref<8x50xi32, #tpu.memory_space<hbm>>
        tpu.wait_dma2 semaphore(%run_scoped3A : memref<!tpu.dma_semaphore, #tpu.memory_space<semaphore_mem>>) src(%dma_wait3A_143 : memref<8x50xi32, #tpu.memory_space<hbm>>) dst(%arg8 : memref<8x50xi32, #tpu.memory_space<vmem>>)
        tpu.yield
      }) : () -> ()
      %dma_start3A = arith.constant 0 : i32
      %dma_start3A_96 = arith.constant 0 : i32
      %dma_start3A_97 = tpu.memref_slice %arg7[%dma_start3A, %dma_start3A_96] : memref<8x50xi32, #tpu.memory_space<vmem>> -> memref<1x50xi32, #tpu.memory_space<vmem>>
      %dma_start3A_98 = tpu.memref_squeeze %dma_start3A_97 : memref<1x50xi32, #tpu.memory_space<vmem>> -> memref<50xi32, #tpu.memory_space<vmem>>
      %dma_start3A_99 = arith.constant 0 : i32
      %dma_start3A_100 = arith.constant 0 : i32
      %dma_start3A_101 = tpu.memref_slice %arg5[%arg0, %dma_start3A_99, %dma_start3A_100] : memref<2x10000x128xf32, #tpu.memory_space<hbm>> -> memref<1x10000x128xf32, #tpu.memory_space<hbm>>
      %dma_start3A_102 = tpu.memref_squeeze %dma_start3A_101 : memref<1x10000x128xf32, #tpu.memory_space<hbm>> -> memref<10000x128xf32, #tpu.memory_space<hbm>>
      %dma_start3A_103 = arith.constant 0 : i32
      %dma_start3A_104 = arith.constant 0 : i32
      %dma_start3A_105 = tpu.memref_slice %dma_start3A_102[%dma_start3A_103, %dma_start3A_104] : memref<10000x128xf32, #tpu.memory_space<hbm>> -> memref<10000x128xf32, #tpu.memory_space<hbm>>
      tpu.enqueue_indirect_dma source(%dma_start3A_105 : memref<10000x128xf32, #tpu.memory_space<hbm>>) target(%arg10 : memref<50x128xf32, #tpu.memory_space<vmem>>) offsets(%dma_start3A_98 : memref<50xi32, #tpu.memory_space<vmem>>) semaphore(%arg16 : memref<!tpu.dma_semaphore, #tpu.memory_space<semaphore_mem>>)
      %dma_start3A_106 = arith.constant 0 : i32
      %dma_start3A_107 = arith.constant 0 : i32
      %dma_start3A_108 = tpu.memref_slice %arg8[%dma_start3A_106, %dma_start3A_107] : memref<8x50xi32, #tpu.memory_space<vmem>> -> memref<1x50xi32, #tpu.memory_space<vmem>>
      %dma_start3A_109 = tpu.memref_squeeze %dma_start3A_108 : memref<1x50xi32, #tpu.memory_space<vmem>> -> memref<50xi32, #tpu.memory_space<vmem>>
      %dma_start3A_110 = arith.constant 0 : i32
      %dma_start3A_111 = arith.constant 0 : i32
      %dma_start3A_112 = tpu.memref_slice %arg4[%arg0, %dma_start3A_110, %dma_start3A_111] : memref<2x10000x128xf32, #tpu.memory_space<hbm>> -> memref<1x10000x128xf32, #tpu.memory_space<hbm>>
      %dma_start3A_113 = tpu.memref_squeeze %dma_start3A_112 : memref<1x10000x128xf32, #tpu.memory_space<hbm>> -> memref<10000x128xf32, #tpu.memory_space<hbm>>
      %dma_start3A_114 = arith.constant 0 : i32
      %dma_start3A_115 = arith.constant 0 : i32
      %dma_start3A_116 = tpu.memref_slice %dma_start3A_113[%dma_start3A_114, %dma_start3A_115] : memref<10000x128xf32, #tpu.memory_space<hbm>> -> memref<10000x128xf32, #tpu.memory_space<hbm>>
      tpu.enqueue_indirect_dma source(%dma_start3A_116 : memref<10000x128xf32, #tpu.memory_space<hbm>>) target(%arg9 : memref<50x128xf32, #tpu.memory_space<vmem>>) offsets(%dma_start3A_109 : memref<50xi32, #tpu.memory_space<vmem>>) semaphore(%arg16 : memref<!tpu.dma_semaphore, #tpu.memory_space<semaphore_mem>>)
      %scan3A_117 = arith.constant 0 : i32
      %scan3A_118 = arith.constant 0 : i32
      %scan3A_119 = arith.constant 4 : i32
      %scan3A_120 = arith.addi %scan3A_118, %scan3A_119 : i32
      %scan3A_121 = arith.constant 1 : i32
      scf.for %scan3A_136 = %scan3A_118 to %scan3A_120 step %scan3A_121  : i32 {
        %mul3A_137 = arith.constant 2 : i32
        %mul3A_138 = arith.muli %mul3A_137, %scan3A_136 : i32
        %add3A_139 = arith.constant 1 : i32
        %add3A_140 = arith.addi %mul3A_138, %add3A_139 : i32
        %dma_start3A_141 = arith.constant 0 : i32
        %dma_start3A_142 = tpu.memref_slice %arg7[%add3A_140, %dma_start3A_141] : memref<8x50xi32, #tpu.memory_space<vmem>> -> memref<1x50xi32, #tpu.memory_space<vmem>>
        %dma_start3A_143 = tpu.memref_squeeze %dma_start3A_142 : memref<1x50xi32, #tpu.memory_space<vmem>> -> memref<50xi32, #tpu.memory_space<vmem>>
        %dma_start3A_144 = arith.constant 0 : i32
        %dma_start3A_145 = arith.constant 0 : i32
        %dma_start3A_146 = tpu.memref_slice %arg5[%arg0, %dma_start3A_144, %dma_start3A_145] : memref<2x10000x128xf32, #tpu.memory_space<hbm>> -> memref<1x10000x128xf32, #tpu.memory_space<hbm>>
        %dma_start3A_147 = tpu.memref_squeeze %dma_start3A_146 : memref<1x10000x128xf32, #tpu.memory_space<hbm>> -> memref<10000x128xf32, #tpu.memory_space<hbm>>
        %dma_start3A_148 = arith.constant 0 : i32
        %dma_start3A_149 = arith.constant 0 : i32
        %dma_start3A_150 = tpu.memref_slice %dma_start3A_147[%dma_start3A_148, %dma_start3A_149] : memref<10000x128xf32, #tpu.memory_space<hbm>> -> memref<10000x128xf32, #tpu.memory_space<hbm>>
        tpu.enqueue_indirect_dma source(%dma_start3A_150 : memref<10000x128xf32, #tpu.memory_space<hbm>>) target(%arg12 : memref<50x128xf32, #tpu.memory_space<vmem>>) offsets(%dma_start3A_143 : memref<50xi32, #tpu.memory_space<vmem>>) semaphore(%arg17 : memref<!tpu.dma_semaphore, #tpu.memory_space<semaphore_mem>>)
        %dma_start3A_151 = arith.constant 0 : i32
        %dma_start3A_152 = tpu.memref_slice %arg8[%add3A_140, %dma_start3A_151] : memref<8x50xi32, #tpu.memory_space<vmem>> -> memref<1x50xi32, #tpu.memory_space<vmem>>
        %dma_start3A_153 = tpu.memref_squeeze %dma_start3A_152 : memref<1x50xi32, #tpu.memory_space<vmem>> -> memref<50xi32, #tpu.memory_space<vmem>>
        %dma_start3A_154 = arith.constant 0 : i32
        %dma_start3A_155 = arith.constant 0 : i32
        %dma_start3A_156 = tpu.memref_slice %arg4[%arg0, %dma_start3A_154, %dma_start3A_155] : memref<2x10000x128xf32, #tpu.memory_space<hbm>> -> memref<1x10000x128xf32, #tpu.memory_space<hbm>>
        %dma_start3A_157 = tpu.memref_squeeze %dma_start3A_156 : memref<1x10000x128xf32, #tpu.memory_space<hbm>> -> memref<10000x128xf32, #tpu.memory_space<hbm>>
        %dma_start3A_158 = arith.constant 0 : i32
        %dma_start3A_159 = arith.constant 0 : i32
        %dma_start3A_160 = tpu.memref_slice %dma_start3A_157[%dma_start3A_158, %dma_start3A_159] : memref<10000x128xf32, #tpu.memory_space<hbm>> -> memref<10000x128xf32, #tpu.memory_space<hbm>>
        tpu.enqueue_indirect_dma source(%dma_start3A_160 : memref<10000x128xf32, #tpu.memory_space<hbm>>) target(%arg11 : memref<50x128xf32, #tpu.memory_space<vmem>>) offsets(%dma_start3A_153 : memref<50xi32, #tpu.memory_space<vmem>>) semaphore(%arg17 : memref<!tpu.dma_semaphore, #tpu.memory_space<semaphore_mem>>)
        %dma_wait3A_161 = arith.constant 0 : i32
        %dma_wait3A_162 = tpu.memref_slice %arg7[%mul3A_138, %dma_wait3A_161] : memref<8x50xi32, #tpu.memory_space<vmem>> -> memref<1x50xi32, #tpu.memory_space<vmem>>
        %dma_wait3A_163 = tpu.memref_squeeze %dma_wait3A_162 : memref<1x50xi32, #tpu.memory_space<vmem>> -> memref<50xi32, #tpu.memory_space<vmem>>
        %dma_wait3A_164 = arith.constant 0 : i32
        %dma_wait3A_165 = arith.constant 0 : i32
        %dma_wait3A_166 = tpu.memref_slice %arg5[%arg0, %dma_wait3A_164, %dma_wait3A_165] : memref<2x10000x128xf32, #tpu.memory_space<hbm>> -> memref<1x10000x128xf32, #tpu.memory_space<hbm>>
        %dma_wait3A_167 = tpu.memref_squeeze %dma_wait3A_166 : memref<1x10000x128xf32, #tpu.memory_space<hbm>> -> memref<10000x128xf32, #tpu.memory_space<hbm>>
        %dma_wait3A_168 = arith.constant 0 : i32
        %dma_wait3A_169 = arith.constant 0 : i32
        %dma_wait3A_170 = tpu.memref_slice %dma_wait3A_167[%dma_wait3A_168, %dma_wait3A_169] : memref<10000x128xf32, #tpu.memory_space<hbm>> -> memref<10000x128xf32, #tpu.memory_space<hbm>>
        tpu.wait_indirect_dma semaphore(%arg16 : memref<!tpu.dma_semaphore, #tpu.memory_space<semaphore_mem>>) src(%dma_wait3A_170 : memref<10000x128xf32, #tpu.memory_space<hbm>>) dst(%arg10 : memref<50x128xf32, #tpu.memory_space<vmem>>)
        %dma_wait3A_171 = arith.constant 0 : i32
        %dma_wait3A_172 = tpu.memref_slice %arg8[%mul3A_138, %dma_wait3A_171] : memref<8x50xi32, #tpu.memory_space<vmem>> -> memref<1x50xi32, #tpu.memory_space<vmem>>
        %dma_wait3A_173 = tpu.memref_squeeze %dma_wait3A_172 : memref<1x50xi32, #tpu.memory_space<vmem>> -> memref<50xi32, #tpu.memory_space<vmem>>
        %dma_wait3A_174 = arith.constant 0 : i32
        %dma_wait3A_175 = arith.constant 0 : i32
        %dma_wait3A_176 = tpu.memref_slice %arg4[%arg0, %dma_wait3A_174, %dma_wait3A_175] : memref<2x10000x128xf32, #tpu.memory_space<hbm>> -> memref<1x10000x128xf32, #tpu.memory_space<hbm>>
        %dma_wait3A_177 = tpu.memref_squeeze %dma_wait3A_176 : memref<1x10000x128xf32, #tpu.memory_space<hbm>> -> memref<10000x128xf32, #tpu.memory_space<hbm>>
        %dma_wait3A_178 = arith.constant 0 : i32
        %dma_wait3A_179 = arith.constant 0 : i32
        %dma_wait3A_180 = tpu.memref_slice %dma_wait3A_177[%dma_wait3A_178, %dma_wait3A_179] : memref<10000x128xf32, #tpu.memory_space<hbm>> -> memref<10000x128xf32, #tpu.memory_space<hbm>>
        tpu.wait_indirect_dma semaphore(%arg16 : memref<!tpu.dma_semaphore, #tpu.memory_space<semaphore_mem>>) src(%dma_wait3A_180 : memref<10000x128xf32, #tpu.memory_space<hbm>>) dst(%arg9 : memref<50x128xf32, #tpu.memory_space<vmem>>)
        %gt3A = arith.constant 0 : i32
        %gt3A_181 = arith.cmpi sgt, %scan3A_136, %gt3A : i32
        %convert_element_type3A_182 = arith.extui %gt3A_181 : i1 to i32
        %cond3A_183 = arith.constant 0 : i32
        %cond3A_184 = arith.cmpi ne, %convert_element_type3A_182, %cond3A_183 : i32
        scf.if %cond3A_184 {
          %dma_wait3A_242 = arith.constant 0 : i32
          %dma_wait3A_243 = arith.constant 0 : i32
          %dma_wait3A_244 = tpu.memref_slice %arg8[%dma_wait3A_242, %dma_wait3A_243] : memref<8x50xi32, #tpu.memory_space<vmem>> -> memref<1x50xi32, #tpu.memory_space<vmem>>
          %dma_wait3A_245 = tpu.memref_squeeze %dma_wait3A_244 : memref<1x50xi32, #tpu.memory_space<vmem>> -> memref<50xi32, #tpu.memory_space<vmem>>
          %dma_wait3A_246 = arith.constant 0 : i32
          %dma_wait3A_247 = arith.constant 0 : i32
          %dma_wait3A_248 = tpu.memref_slice %arg15[%dma_wait3A_246, %dma_wait3A_247] : memref<10000x128xf32, #tpu.memory_space<vmem_shared>> -> memref<10000x128xf32, #tpu.memory_space<vmem_shared>>
          tpu.wait_indirect_dma semaphore(%arg18 : memref<!tpu.dma_semaphore, #tpu.memory_space<semaphore_mem>>) src(%arg13 : memref<50x128xf32, #tpu.memory_space<vmem>>) dst(%dma_wait3A_248 : memref<10000x128xf32, #tpu.memory_space<vmem_shared>>)
        } else {
        }
        %scan3A_185 = arith.constant 0 : i32
        %scan3A_186 = arith.constant 0 : i32
        %scan3A_187 = arith.constant 50 : i32
        %scan3A_188 = arith.addi %scan3A_186, %scan3A_187 : i32
        %scan3A_189 = arith.constant 1 : i32
        scf.for %scan3A_242 = %scan3A_186 to %scan3A_188 step %scan3A_189  : i32 {
          %get3A = arith.index_cast %scan3A_242 : i32 to index
          %get3A_243 = arith.constant 0 : index
          %get3A_244 = tpu.vector_load %arg10[%get3A, %get3A_243] {strides = array<i32>} : memref<50x128xf32, #tpu.memory_space<vmem>>, vector<16xf32>,
          %get3A_245 = arith.index_cast %scan3A_242 : i32 to index
          %get3A_246 = arith.constant 64 : index
          %get3A_247 = tpu.vector_load %arg10[%get3A_245, %get3A_246] {strides = array<i32>} : memref<50x128xf32, #tpu.memory_space<vmem>>, vector<16xf32>,
          %get3A_248 = arith.index_cast %scan3A_242 : i32 to index
          %get3A_249 = arith.constant 0 : index
          %get3A_250 = tpu.vector_load %arg9[%get3A_248, %get3A_249] {strides = array<i32>} : memref<50x128xf32, #tpu.memory_space<vmem>>, vector<16xf32>,
          %mul3A_251 = arith.mulf %get3A_250, %get3A_244 : vector<16xf32>
          %get3A_252 = arith.index_cast %scan3A_242 : i32 to index
          %get3A_253 = arith.constant 64 : index
          %get3A_254 = tpu.vector_load %arg9[%get3A_252, %get3A_253] {strides = array<i32>} : memref<50x128xf32, #tpu.memory_space<vmem>>, vector<16xf32>,
          %mul3A_255 = arith.mulf %get3A_254, %get3A_244 : vector<16xf32>
          %get3A_256 = arith.index_cast %scan3A_242 : i32 to index
          %get3A_257 = arith.constant 16 : index
          %get3A_258 = tpu.vector_load %arg10[%get3A_256, %get3A_257] {strides = array<i32>} : memref<50x128xf32, #tpu.memory_space<vmem>>, vector<16xf32>,
          %get3A_259 = arith.index_cast %scan3A_242 : i32 to index
          %get3A_260 = arith.constant 80 : index
          %get3A_261 = tpu.vector_load %arg10[%get3A_259, %get3A_260] {strides = array<i32>} : memref<50x128xf32, #tpu.memory_space<vmem>>, vector<16xf32>,
          %get3A_262 = arith.index_cast %scan3A_242 : i32 to index
          %get3A_263 = arith.constant 16 : index
          %get3A_264 = tpu.vector_load %arg9[%get3A_262, %get3A_263] {strides = array<i32>} : memref<50x128xf32, #tpu.memory_space<vmem>>, vector<16xf32>,
          %mul3A_265 = arith.mulf %get3A_264, %get3A_258 : vector<16xf32>
          %get3A_266 = arith.index_cast %scan3A_242 : i32 to index
          %get3A_267 = arith.constant 80 : index
          %get3A_268 = tpu.vector_load %arg9[%get3A_266, %get3A_267] {strides = array<i32>} : memref<50x128xf32, #tpu.memory_space<vmem>>, vector<16xf32>,
          %mul3A_269 = arith.mulf %get3A_268, %get3A_258 : vector<16xf32>
          %get3A_270 = arith.index_cast %scan3A_242 : i32 to index
          %get3A_271 = arith.constant 32 : index
          %get3A_272 = tpu.vector_load %arg10[%get3A_270, %get3A_271] {strides = array<i32>} : memref<50x128xf32, #tpu.memory_space<vmem>>, vector<16xf32>,
          %get3A_273 = arith.index_cast %scan3A_242 : i32 to index
          %get3A_274 = arith.constant 96 : index
          %get3A_275 = tpu.vector_load %arg10[%get3A_273, %get3A_274] {strides = array<i32>} : memref<50x128xf32, #tpu.memory_space<vmem>>, vector<16xf32>,
          %get3A_276 = arith.index_cast %scan3A_242 : i32 to index
          %get3A_277 = arith.constant 32 : index
          %get3A_278 = tpu.vector_load %arg9[%get3A_276, %get3A_277] {strides = array<i32>} : memref<50x128xf32, #tpu.memory_space<vmem>>, vector<16xf32>,
          %mul3A_279 = arith.mulf %get3A_278, %get3A_272 : vector<16xf32>
          %get3A_280 = arith.index_cast %scan3A_242 : i32 to index
          %get3A_281 = arith.constant 96 : index
          %get3A_282 = tpu.vector_load %arg9[%get3A_280, %get3A_281] {strides = array<i32>} : memref<50x128xf32, #tpu.memory_space<vmem>>, vector<16xf32>,
          %mul3A_283 = arith.mulf %get3A_282, %get3A_272 : vector<16xf32>
          %get3A_284 = arith.index_cast %scan3A_242 : i32 to index
          %get3A_285 = arith.constant 48 : index
          %get3A_286 = tpu.vector_load %arg10[%get3A_284, %get3A_285] {strides = array<i32>} : memref<50x128xf32, #tpu.memory_space<vmem>>, vector<16xf32>,
          %get3A_287 = arith.index_cast %scan3A_242 : i32 to index
          %get3A_288 = arith.constant 112 : index
          %get3A_289 = tpu.vector_load %arg10[%get3A_287, %get3A_288] {strides = array<i32>} : memref<50x128xf32, #tpu.memory_space<vmem>>, vector<16xf32>,
          %get3A_290 = arith.index_cast %scan3A_242 : i32 to index
          %get3A_291 = arith.constant 48 : index
          %get3A_292 = tpu.vector_load %arg9[%get3A_290, %get3A_291] {strides = array<i32>} : memref<50x128xf32, #tpu.memory_space<vmem>>, vector<16xf32>,
          %mul3A_293 = arith.mulf %get3A_292, %get3A_286 : vector<16xf32>
          %get3A_294 = arith.index_cast %scan3A_242 : i32 to index
          %get3A_295 = arith.constant 112 : index
          %get3A_296 = tpu.vector_load %arg9[%get3A_294, %get3A_295] {strides = array<i32>} : memref<50x128xf32, #tpu.memory_space<vmem>>, vector<16xf32>,
          %mul3A_297 = arith.mulf %get3A_296, %get3A_286 : vector<16xf32>
          %broadcast_in_dim3A_298 = vector.shape_cast %xor3A_35 : vector<16xi32> to vector<16x1xi32>
          %gather3A = vector.shape_cast %broadcast_in_dim3A_298 : vector<16x1xi32> to vector<16xi32>
          %gather3A_299 = tpu.dynamic_gather %mul3A_251[%gather3A] in [0] : vector<16xf32>, vector<16xi32> -> vector<16xf32>
          %add3A_300 = arith.addf %mul3A_251, %gather3A_299 : vector<16xf32>
          %broadcast_in_dim3A_301 = vector.shape_cast %xor3A_35 : vector<16xi32> to vector<16x1xi32>
          %gather3A_302 = vector.shape_cast %broadcast_in_dim3A_301 : vector<16x1xi32> to vector<16xi32>
          %gather3A_303 = tpu.dynamic_gather %mul3A_255[%gather3A_302] in [0] : vector<16xf32>, vector<16xi32> -> vector<16xf32>
          %add3A_304 = arith.addf %mul3A_255, %gather3A_303 : vector<16xf32>
          %select_n3A = arith.select %eq3A_49, %add3A_300, %add3A_304 : vector<16xi1>, vector<16xf32>
          %broadcast_in_dim3A_305 = vector.shape_cast %xor3A_35 : vector<16xi32> to vector<16x1xi32>
          %gather3A_306 = vector.shape_cast %broadcast_in_dim3A_305 : vector<16x1xi32> to vector<16xi32>
          %gather3A_307 = tpu.dynamic_gather %mul3A_265[%gather3A_306] in [0] : vector<16xf32>, vector<16xi32> -> vector<16xf32>
          %add3A_308 = arith.addf %mul3A_265, %gather3A_307 : vector<16xf32>
          %broadcast_in_dim3A_309 = vector.shape_cast %xor3A_35 : vector<16xi32> to vector<16x1xi32>
          %gather3A_310 = vector.shape_cast %broadcast_in_dim3A_309 : vector<16x1xi32> to vector<16xi32>
          %gather3A_311 = tpu.dynamic_gather %mul3A_269[%gather3A_310] in [0] : vector<16xf32>, vector<16xi32> -> vector<16xf32>
          %add3A_312 = arith.addf %mul3A_269, %gather3A_311 : vector<16xf32>
          %select_n3A_313 = arith.select %eq3A_49, %add3A_308, %add3A_312 : vector<16xi1>, vector<16xf32>
          %broadcast_in_dim3A_314 = vector.shape_cast %xor3A_35 : vector<16xi32> to vector<16x1xi32>
          %gather3A_315 = vector.shape_cast %broadcast_in_dim3A_314 : vector<16x1xi32> to vector<16xi32>
          %gather3A_316 = tpu.dynamic_gather %mul3A_279[%gather3A_315] in [0] : vector<16xf32>, vector<16xi32> -> vector<16xf32>
          %add3A_317 = arith.addf %mul3A_279, %gather3A_316 : vector<16xf32>
          %broadcast_in_dim3A_318 = vector.shape_cast %xor3A_35 : vector<16xi32> to vector<16x1xi32>
          %gather3A_319 = vector.shape_cast %broadcast_in_dim3A_318 : vector<16x1xi32> to vector<16xi32>
          %gather3A_320 = tpu.dynamic_gather %mul3A_283[%gather3A_319] in [0] : vector<16xf32>, vector<16xi32> -> vector<16xf32>
          %add3A_321 = arith.addf %mul3A_283, %gather3A_320 : vector<16xf32>
          %select_n3A_322 = arith.select %eq3A_49, %add3A_317, %add3A_321 : vector<16xi1>, vector<16xf32>
          %broadcast_in_dim3A_323 = vector.shape_cast %xor3A_35 : vector<16xi32> to vector<16x1xi32>
          %gather3A_324 = vector.shape_cast %broadcast_in_dim3A_323 : vector<16x1xi32> to vector<16xi32>
          %gather3A_325 = tpu.dynamic_gather %mul3A_293[%gather3A_324] in [0] : vector<16xf32>, vector<16xi32> -> vector<16xf32>
          %add3A_326 = arith.addf %mul3A_293, %gather3A_325 : vector<16xf32>
          %broadcast_in_dim3A_327 = vector.shape_cast %xor3A_35 : vector<16xi32> to vector<16x1xi32>
          %gather3A_328 = vector.shape_cast %broadcast_in_dim3A_327 : vector<16x1xi32> to vector<16xi32>
          %gather3A_329 = tpu.dynamic_gather %mul3A_297[%gather3A_328] in [0] : vector<16xf32>, vector<16xi32> -> vector<16xf32>
          %add3A_330 = arith.addf %mul3A_297, %gather3A_329 : vector<16xf32>
          %select_n3A_331 = arith.select %eq3A_49, %add3A_326, %add3A_330 : vector<16xi1>, vector<16xf32>
          %broadcast_in_dim3A_332 = vector.shape_cast %xor3A_38 : vector<16xi32> to vector<16x1xi32>
          %gather3A_333 = vector.shape_cast %broadcast_in_dim3A_332 : vector<16x1xi32> to vector<16xi32>
          %gather3A_334 = tpu.dynamic_gather %select_n3A[%gather3A_333] in [0] : vector<16xf32>, vector<16xi32> -> vector<16xf32>
          %add3A_335 = arith.addf %select_n3A, %gather3A_334 : vector<16xf32>
          %broadcast_in_dim3A_336 = vector.shape_cast %xor3A_38 : vector<16xi32> to vector<16x1xi32>
          %gather3A_337 = vector.shape_cast %broadcast_in_dim3A_336 : vector<16x1xi32> to vector<16xi32>
          %gather3A_338 = tpu.dynamic_gather %select_n3A_313[%gather3A_337] in [0] : vector<16xf32>, vector<16xi32> -> vector<16xf32>
          %add3A_339 = arith.addf %select_n3A_313, %gather3A_338 : vector<16xf32>
          %select_n3A_340 = arith.select %eq3A_55, %add3A_335, %add3A_339 : vector<16xi1>, vector<16xf32>
          %broadcast_in_dim3A_341 = vector.shape_cast %xor3A_38 : vector<16xi32> to vector<16x1xi32>
          %gather3A_342 = vector.shape_cast %broadcast_in_dim3A_341 : vector<16x1xi32> to vector<16xi32>
          %gather3A_343 = tpu.dynamic_gather %select_n3A_322[%gather3A_342] in [0] : vector<16xf32>, vector<16xi32> -> vector<16xf32>
          %add3A_344 = arith.addf %select_n3A_322, %gather3A_343 : vector<16xf32>
          %broadcast_in_dim3A_345 = vector.shape_cast %xor3A_38 : vector<16xi32> to vector<16x1xi32>
          %gather3A_346 = vector.shape_cast %broadcast_in_dim3A_345 : vector<16x1xi32> to vector<16xi32>
          %gather3A_347 = tpu.dynamic_gather %select_n3A_331[%gather3A_346] in [0] : vector<16xf32>, vector<16xi32> -> vector<16xf32>
          %add3A_348 = arith.addf %select_n3A_331, %gather3A_347 : vector<16xf32>
          %select_n3A_349 = arith.select %eq3A_55, %add3A_344, %add3A_348 : vector<16xi1>, vector<16xf32>
          %broadcast_in_dim3A_350 = vector.shape_cast %xor3A_41 : vector<16xi32> to vector<16x1xi32>
          %gather3A_351 = vector.shape_cast %broadcast_in_dim3A_350 : vector<16x1xi32> to vector<16xi32>
          %gather3A_352 = tpu.dynamic_gather %select_n3A_340[%gather3A_351] in [0] : vector<16xf32>, vector<16xi32> -> vector<16xf32>
          %add3A_353 = arith.addf %select_n3A_340, %gather3A_352 : vector<16xf32>
          %broadcast_in_dim3A_354 = vector.shape_cast %xor3A_41 : vector<16xi32> to vector<16x1xi32>
          %gather3A_355 = vector.shape_cast %broadcast_in_dim3A_354 : vector<16x1xi32> to vector<16xi32>
          %gather3A_356 = tpu.dynamic_gather %select_n3A_349[%gather3A_355] in [0] : vector<16xf32>, vector<16xi32> -> vector<16xf32>
          %add3A_357 = arith.addf %select_n3A_349, %gather3A_356 : vector<16xf32>
          %select_n3A_358 = arith.select %eq3A_61, %add3A_353, %add3A_357 : vector<16xi1>, vector<16xf32>
          %broadcast_in_dim3A_359 = vector.shape_cast %xor3A_44 : vector<16xi32> to vector<16x1xi32>
          %gather3A_360 = vector.shape_cast %broadcast_in_dim3A_359 : vector<16x1xi32> to vector<16xi32>
          %gather3A_361 = tpu.dynamic_gather %select_n3A_358[%gather3A_360] in [0] : vector<16xf32>, vector<16xi32> -> vector<16xf32>
          %add3A_362 = arith.addf %select_n3A_358, %gather3A_361 : vector<16xf32>
          %jit3A = arith.constant -5.000000e+00 : f32
          %jit3A_363 = arith.constant 5.000000e+00 : f32
          %max3A = vector.broadcast %jit3A : f32 to vector<16xf32>
          %max3A_364 = arith.maximumf %max3A, %add3A_362 : vector<16xf32>
          %min3A = vector.broadcast %jit3A_363 : f32 to vector<16xf32>
          %min3A_365 = arith.minimumf %min3A, %max3A_364 : vector<16xf32>
          %exp3A = math.exp %min3A_365 : vector<16xf32>
          %broadcast_in_dim3A_366 = vector.shape_cast %broadcast_in_dim3A_63 : vector<16xi32> to vector<16x1xi32>
          %gather3A_367 = vector.shape_cast %broadcast_in_dim3A_366 : vector<16x1xi32> to vector<16xi32>
          %gather3A_368 = tpu.dynamic_gather %exp3A[%gather3A_367] in [0] : vector<16xf32>, vector<16xi32> -> vector<16xf32>
          %mul3A_369 = arith.mulf %get3A_247, %gather3A_368 : vector<16xf32>
          %swap3A = arith.index_cast %scan3A_242 : i32 to index
          %swap3A_370 = arith.constant 0 : index
          %swap3A_371 = tpu.vector_load %arg13[%swap3A, %swap3A_370] {strides = array<i32>} : memref<50x128xf32, #tpu.memory_space<vmem>>, vector<16xf32>,
          tpu.vector_store %arg13[%swap3A, %swap3A_370], %mul3A_369 {strides = array<i32>} : memref<50x128xf32, #tpu.memory_space<vmem>>, vector<16xf32>,
          %broadcast_in_dim3A_372 = vector.shape_cast %broadcast_in_dim3A_65 : vector<16xi32> to vector<16x1xi32>
          %gather3A_373 = vector.shape_cast %broadcast_in_dim3A_372 : vector<16x1xi32> to vector<16xi32>
          %gather3A_374 = tpu.dynamic_gather %exp3A[%gather3A_373] in [0] : vector<16xf32>, vector<16xi32> -> vector<16xf32>
          %mul3A_375 = arith.mulf %get3A_247, %gather3A_374 : vector<16xf32>
          %swap3A_376 = arith.index_cast %scan3A_242 : i32 to index
          %swap3A_377 = arith.constant 64 : index
          %swap3A_378 = tpu.vector_load %arg13[%swap3A_376, %swap3A_377] {strides = array<i32>} : memref<50x128xf32, #tpu.memory_space<vmem>>, vector<16xf32>,
          tpu.vector_store %arg13[%swap3A_376, %swap3A_377], %mul3A_375 {strides = array<i32>} : memref<50x128xf32, #tpu.memory_space<vmem>>, vector<16xf32>,
          %broadcast_in_dim3A_379 = vector.shape_cast %broadcast_in_dim3A_67 : vector<16xi32> to vector<16x1xi32>
          %gather3A_380 = vector.shape_cast %broadcast_in_dim3A_379 : vector<16x1xi32> to vector<16xi32>
          %gather3A_381 = tpu.dynamic_gather %exp3A[%gather3A_380] in [0] : vector<16xf32>, vector<16xi32> -> vector<16xf32>
          %mul3A_382 = arith.mulf %get3A_261, %gather3A_381 : vector<16xf32>
          %swap3A_383 = arith.index_cast %scan3A_242 : i32 to index
          %swap3A_384 = arith.constant 16 : index
          %swap3A_385 = tpu.vector_load %arg13[%swap3A_383, %swap3A_384] {strides = array<i32>} : memref<50x128xf32, #tpu.memory_space<vmem>>, vector<16xf32>,
          tpu.vector_store %arg13[%swap3A_383, %swap3A_384], %mul3A_382 {strides = array<i32>} : memref<50x128xf32, #tpu.memory_space<vmem>>, vector<16xf32>,
          %broadcast_in_dim3A_386 = vector.shape_cast %broadcast_in_dim3A_69 : vector<16xi32> to vector<16x1xi32>
          %gather3A_387 = vector.shape_cast %broadcast_in_dim3A_386 : vector<16x1xi32> to vector<16xi32>
          %gather3A_388 = tpu.dynamic_gather %exp3A[%gather3A_387] in [0] : vector<16xf32>, vector<16xi32> -> vector<16xf32>
          %mul3A_389 = arith.mulf %get3A_261, %gather3A_388 : vector<16xf32>
          %swap3A_390 = arith.index_cast %scan3A_242 : i32 to index
          %swap3A_391 = arith.constant 80 : index
          %swap3A_392 = tpu.vector_load %arg13[%swap3A_390, %swap3A_391] {strides = array<i32>} : memref<50x128xf32, #tpu.memory_space<vmem>>, vector<16xf32>,
          tpu.vector_store %arg13[%swap3A_390, %swap3A_391], %mul3A_389 {strides = array<i32>} : memref<50x128xf32, #tpu.memory_space<vmem>>, vector<16xf32>,
          %broadcast_in_dim3A_393 = vector.shape_cast %broadcast_in_dim3A_71 : vector<16xi32> to vector<16x1xi32>
          %gather3A_394 = vector.shape_cast %broadcast_in_dim3A_393 : vector<16x1xi32> to vector<16xi32>
          %gather3A_395 = tpu.dynamic_gather %exp3A[%gather3A_394] in [0] : vector<16xf32>, vector<16xi32> -> vector<16xf32>
          %mul3A_396 = arith.mulf %get3A_275, %gather3A_395 : vector<16xf32>
          %swap3A_397 = arith.index_cast %scan3A_242 : i32 to index
          %swap3A_398 = arith.constant 32 : index
          %swap3A_399 = tpu.vector_load %arg13[%swap3A_397, %swap3A_398] {strides = array<i32>} : memref<50x128xf32, #tpu.memory_space<vmem>>, vector<16xf32>,
          tpu.vector_store %arg13[%swap3A_397, %swap3A_398], %mul3A_396 {strides = array<i32>} : memref<50x128xf32, #tpu.memory_space<vmem>>, vector<16xf32>,
          %broadcast_in_dim3A_400 = vector.shape_cast %broadcast_in_dim3A_73 : vector<16xi32> to vector<16x1xi32>
          %gather3A_401 = vector.shape_cast %broadcast_in_dim3A_400 : vector<16x1xi32> to vector<16xi32>
          %gather3A_402 = tpu.dynamic_gather %exp3A[%gather3A_401] in [0] : vector<16xf32>, vector<16xi32> -> vector<16xf32>
          %mul3A_403 = arith.mulf %get3A_275, %gather3A_402 : vector<16xf32>
          %swap3A_404 = arith.index_cast %scan3A_242 : i32 to index
          %swap3A_405 = arith.constant 96 : index
          %swap3A_406 = tpu.vector_load %arg13[%swap3A_404, %swap3A_405] {strides = array<i32>} : memref<50x128xf32, #tpu.memory_space<vmem>>, vector<16xf32>,
          tpu.vector_store %arg13[%swap3A_404, %swap3A_405], %mul3A_403 {strides = array<i32>} : memref<50x128xf32, #tpu.memory_space<vmem>>, vector<16xf32>,
          %broadcast_in_dim3A_407 = vector.shape_cast %broadcast_in_dim3A_75 : vector<16xi32> to vector<16x1xi32>
          %gather3A_408 = vector.shape_cast %broadcast_in_dim3A_407 : vector<16x1xi32> to vector<16xi32>
          %gather3A_409 = tpu.dynamic_gather %exp3A[%gather3A_408] in [0] : vector<16xf32>, vector<16xi32> -> vector<16xf32>
          %mul3A_410 = arith.mulf %get3A_289, %gather3A_409 : vector<16xf32>
          %swap3A_411 = arith.index_cast %scan3A_242 : i32 to index
          %swap3A_412 = arith.constant 48 : index
          %swap3A_413 = tpu.vector_load %arg13[%swap3A_411, %swap3A_412] {strides = array<i32>} : memref<50x128xf32, #tpu.memory_space<vmem>>, vector<16xf32>,
          tpu.vector_store %arg13[%swap3A_411, %swap3A_412], %mul3A_410 {strides = array<i32>} : memref<50x128xf32, #tpu.memory_space<vmem>>, vector<16xf32>,
          %broadcast_in_dim3A_414 = vector.shape_cast %broadcast_in_dim3A_77 : vector<16xi32> to vector<16x1xi32>
          %gather3A_415 = vector.shape_cast %broadcast_in_dim3A_414 : vector<16x1xi32> to vector<16xi32>
          %gather3A_416 = tpu.dynamic_gather %exp3A[%gather3A_415] in [0] : vector<16xf32>, vector<16xi32> -> vector<16xf32>
          %mul3A_417 = arith.mulf %get3A_289, %gather3A_416 : vector<16xf32>
          %swap3A_418 = arith.index_cast %scan3A_242 : i32 to index
          %swap3A_419 = arith.constant 112 : index
          %swap3A_420 = tpu.vector_load %arg13[%swap3A_418, %swap3A_419] {strides = array<i32>} : memref<50x128xf32, #tpu.memory_space<vmem>>, vector<16xf32>,
          tpu.vector_store %arg13[%swap3A_418, %swap3A_419], %mul3A_417 {strides = array<i32>} : memref<50x128xf32, #tpu.memory_space<vmem>>, vector<16xf32>,
        }
        %scan3A_190 = arith.constant 50 : i32
        %dma_start3A_191 = arith.constant 0 : i32
        %dma_start3A_192 = tpu.memref_slice %arg8[%mul3A_138, %dma_start3A_191] : memref<8x50xi32, #tpu.memory_space<vmem>> -> memref<1x50xi32, #tpu.memory_space<vmem>>
        %dma_start3A_193 = tpu.memref_squeeze %dma_start3A_192 : memref<1x50xi32, #tpu.memory_space<vmem>> -> memref<50xi32, #tpu.memory_space<vmem>>
        %dma_start3A_194 = arith.constant 0 : i32
        %dma_start3A_195 = arith.constant 0 : i32
        %dma_start3A_196 = tpu.memref_slice %arg15[%dma_start3A_194, %dma_start3A_195] : memref<10000x128xf32, #tpu.memory_space<vmem_shared>> -> memref<10000x128xf32, #tpu.memory_space<vmem_shared>>
        tpu.enqueue_indirect_dma source(%arg13 : memref<50x128xf32, #tpu.memory_space<vmem>>) target(%dma_start3A_196 : memref<10000x128xf32, #tpu.memory_space<vmem_shared>>) offsets(%dma_start3A_193 : memref<50xi32, #tpu.memory_space<vmem>>) semaphore(%arg18 : memref<!tpu.dma_semaphore, #tpu.memory_space<semaphore_mem>>) {add = true}
        %lt3A = arith.constant 3 : i32
        %lt3A_197 = arith.cmpi slt, %scan3A_136, %lt3A : i32
        %convert_element_type3A_198 = arith.extui %lt3A_197 : i1 to i32
        %cond3A_199 = arith.constant 0 : i32
        %cond3A_200 = arith.cmpi ne, %convert_element_type3A_198, %cond3A_199 : i32
        scf.if %cond3A_200 {
          %add3A_242 = arith.constant 2 : i32
          %add3A_243 = arith.addi %mul3A_138, %add3A_242 : i32
          %dma_start3A_244 = arith.constant 0 : i32
          %dma_start3A_245 = tpu.memref_slice %arg7[%add3A_243, %dma_start3A_244] : memref<8x50xi32, #tpu.memory_space<vmem>> -> memref<1x50xi32, #tpu.memory_space<vmem>>
          %dma_start3A_246 = tpu.memref_squeeze %dma_start3A_245 : memref<1x50xi32, #tpu.memory_space<vmem>> -> memref<50xi32, #tpu.memory_space<vmem>>
          %dma_start3A_247 = arith.constant 0 : i32
          %dma_start3A_248 = arith.constant 0 : i32
          %dma_start3A_249 = tpu.memref_slice %arg5[%arg0, %dma_start3A_247, %dma_start3A_248] : memref<2x10000x128xf32, #tpu.memory_space<hbm>> -> memref<1x10000x128xf32, #tpu.memory_space<hbm>>
          %dma_start3A_250 = tpu.memref_squeeze %dma_start3A_249 : memref<1x10000x128xf32, #tpu.memory_space<hbm>> -> memref<10000x128xf32, #tpu.memory_space<hbm>>
          %dma_start3A_251 = arith.constant 0 : i32
          %dma_start3A_252 = arith.constant 0 : i32
          %dma_start3A_253 = tpu.memref_slice %dma_start3A_250[%dma_start3A_251, %dma_start3A_252] : memref<10000x128xf32, #tpu.memory_space<hbm>> -> memref<10000x128xf32, #tpu.memory_space<hbm>>
          tpu.enqueue_indirect_dma source(%dma_start3A_253 : memref<10000x128xf32, #tpu.memory_space<hbm>>) target(%arg10 : memref<50x128xf32, #tpu.memory_space<vmem>>) offsets(%dma_start3A_246 : memref<50xi32, #tpu.memory_space<vmem>>) semaphore(%arg16 : memref<!tpu.dma_semaphore, #tpu.memory_space<semaphore_mem>>)
          %dma_start3A_254 = arith.constant 0 : i32
          %dma_start3A_255 = tpu.memref_slice %arg8[%add3A_243, %dma_start3A_254] : memref<8x50xi32, #tpu.memory_space<vmem>> -> memref<1x50xi32, #tpu.memory_space<vmem>>
          %dma_start3A_256 = tpu.memref_squeeze %dma_start3A_255 : memref<1x50xi32, #tpu.memory_space<vmem>> -> memref<50xi32, #tpu.memory_space<vmem>>
          %dma_start3A_257 = arith.constant 0 : i32
          %dma_start3A_258 = arith.constant 0 : i32
          %dma_start3A_259 = tpu.memref_slice %arg4[%arg0, %dma_start3A_257, %dma_start3A_258] : memref<2x10000x128xf32, #tpu.memory_space<hbm>> -> memref<1x10000x128xf32, #tpu.memory_space<hbm>>
          %dma_start3A_260 = tpu.memref_squeeze %dma_start3A_259 : memref<1x10000x128xf32, #tpu.memory_space<hbm>> -> memref<10000x128xf32, #tpu.memory_space<hbm>>
          %dma_start3A_261 = arith.constant 0 : i32
          %dma_start3A_262 = arith.constant 0 : i32
          %dma_start3A_263 = tpu.memref_slice %dma_start3A_260[%dma_start3A_261, %dma_start3A_262] : memref<10000x128xf32, #tpu.memory_space<hbm>> -> memref<10000x128xf32, #tpu.memory_space<hbm>>
          tpu.enqueue_indirect_dma source(%dma_start3A_263 : memref<10000x128xf32, #tpu.memory_space<hbm>>) target(%arg9 : memref<50x128xf32, #tpu.memory_space<vmem>>) offsets(%dma_start3A_256 : memref<50xi32, #tpu.memory_space<vmem>>) semaphore(%arg16 : memref<!tpu.dma_semaphore, #tpu.memory_space<semaphore_mem>>)
        } else {
        }
        %add3A_201 = arith.constant 1 : i32
        %add3A_202 = arith.addi %mul3A_138, %add3A_201 : i32
        %dma_wait3A_203 = arith.constant 0 : i32
        %dma_wait3A_204 = tpu.memref_slice %arg7[%add3A_202, %dma_wait3A_203] : memref<8x50xi32, #tpu.memory_space<vmem>> -> memref<1x50xi32, #tpu.memory_space<vmem>>
        %dma_wait3A_205 = tpu.memref_squeeze %dma_wait3A_204 : memref<1x50xi32, #tpu.memory_space<vmem>> -> memref<50xi32, #tpu.memory_space<vmem>>
        %dma_wait3A_206 = arith.constant 0 : i32
        %dma_wait3A_207 = arith.constant 0 : i32
        %dma_wait3A_208 = tpu.memref_slice %arg5[%arg0, %dma_wait3A_206, %dma_wait3A_207] : memref<2x10000x128xf32, #tpu.memory_space<hbm>> -> memref<1x10000x128xf32, #tpu.memory_space<hbm>>
        %dma_wait3A_209 = tpu.memref_squeeze %dma_wait3A_208 : memref<1x10000x128xf32, #tpu.memory_space<hbm>> -> memref<10000x128xf32, #tpu.memory_space<hbm>>
        %dma_wait3A_210 = arith.constant 0 : i32
        %dma_wait3A_211 = arith.constant 0 : i32
        %dma_wait3A_212 = tpu.memref_slice %dma_wait3A_209[%dma_wait3A_210, %dma_wait3A_211] : memref<10000x128xf32, #tpu.memory_space<hbm>> -> memref<10000x128xf32, #tpu.memory_space<hbm>>
        tpu.wait_indirect_dma semaphore(%arg17 : memref<!tpu.dma_semaphore, #tpu.memory_space<semaphore_mem>>) src(%dma_wait3A_212 : memref<10000x128xf32, #tpu.memory_space<hbm>>) dst(%arg12 : memref<50x128xf32, #tpu.memory_space<vmem>>)
        %dma_wait3A_213 = arith.constant 0 : i32
        %dma_wait3A_214 = tpu.memref_slice %arg8[%add3A_202, %dma_wait3A_213] : memref<8x50xi32, #tpu.memory_space<vmem>> -> memref<1x50xi32, #tpu.memory_space<vmem>>
        %dma_wait3A_215 = tpu.memref_squeeze %dma_wait3A_214 : memref<1x50xi32, #tpu.memory_space<vmem>> -> memref<50xi32, #tpu.memory_space<vmem>>
        %dma_wait3A_216 = arith.constant 0 : i32
        %dma_wait3A_217 = arith.constant 0 : i32
        %dma_wait3A_218 = tpu.memref_slice %arg4[%arg0, %dma_wait3A_216, %dma_wait3A_217] : memref<2x10000x128xf32, #tpu.memory_space<hbm>> -> memref<1x10000x128xf32, #tpu.memory_space<hbm>>
        %dma_wait3A_219 = tpu.memref_squeeze %dma_wait3A_218 : memref<1x10000x128xf32, #tpu.memory_space<hbm>> -> memref<10000x128xf32, #tpu.memory_space<hbm>>
        %dma_wait3A_220 = arith.constant 0 : i32
        %dma_wait3A_221 = arith.constant 0 : i32
        %dma_wait3A_222 = tpu.memref_slice %dma_wait3A_219[%dma_wait3A_220, %dma_wait3A_221] : memref<10000x128xf32, #tpu.memory_space<hbm>> -> memref<10000x128xf32, #tpu.memory_space<hbm>>
        tpu.wait_indirect_dma semaphore(%arg17 : memref<!tpu.dma_semaphore, #tpu.memory_space<semaphore_mem>>) src(%dma_wait3A_222 : memref<10000x128xf32, #tpu.memory_space<hbm>>) dst(%arg11 : memref<50x128xf32, #tpu.memory_space<vmem>>)
        %gt3A_223 = arith.constant 0 : i32
        %gt3A_224 = arith.cmpi sgt, %scan3A_136, %gt3A_223 : i32
        %convert_element_type3A_225 = arith.extui %gt3A_224 : i1 to i32
        %cond3A_226 = arith.constant 0 : i32
        %cond3A_227 = arith.cmpi ne, %convert_element_type3A_225, %cond3A_226 : i32
        scf.if %cond3A_227 {
          %dma_wait3A_242 = arith.constant 0 : i32
          %dma_wait3A_243 = arith.constant 0 : i32
          %dma_wait3A_244 = tpu.memref_slice %arg8[%dma_wait3A_242, %dma_wait3A_243] : memref<8x50xi32, #tpu.memory_space<vmem>> -> memref<1x50xi32, #tpu.memory_space<vmem>>
          %dma_wait3A_245 = tpu.memref_squeeze %dma_wait3A_244 : memref<1x50xi32, #tpu.memory_space<vmem>> -> memref<50xi32, #tpu.memory_space<vmem>>
          %dma_wait3A_246 = arith.constant 0 : i32
          %dma_wait3A_247 = arith.constant 0 : i32
          %dma_wait3A_248 = tpu.memref_slice %arg15[%dma_wait3A_246, %dma_wait3A_247] : memref<10000x128xf32, #tpu.memory_space<vmem_shared>> -> memref<10000x128xf32, #tpu.memory_space<vmem_shared>>
          tpu.wait_indirect_dma semaphore(%arg19 : memref<!tpu.dma_semaphore, #tpu.memory_space<semaphore_mem>>) src(%arg14 : memref<50x128xf32, #tpu.memory_space<vmem>>) dst(%dma_wait3A_248 : memref<10000x128xf32, #tpu.memory_space<vmem_shared>>)
        } else {
        }
        %scan3A_228 = arith.constant 0 : i32
        %scan3A_229 = arith.constant 0 : i32
        %scan3A_230 = arith.constant 50 : i32
        %scan3A_231 = arith.addi %scan3A_229, %scan3A_230 : i32
        %scan3A_232 = arith.constant 1 : i32
        scf.for %scan3A_242 = %scan3A_229 to %scan3A_231 step %scan3A_232  : i32 {
          %get3A = arith.index_cast %scan3A_242 : i32 to index
          %get3A_243 = arith.constant 0 : index
          %get3A_244 = tpu.vector_load %arg12[%get3A, %get3A_243] {strides = array<i32>} : memref<50x128xf32, #tpu.memory_space<vmem>>, vector<16xf32>,
          %get3A_245 = arith.index_cast %scan3A_242 : i32 to index
          %get3A_246 = arith.constant 64 : index
          %get3A_247 = tpu.vector_load %arg12[%get3A_245, %get3A_246] {strides = array<i32>} : memref<50x128xf32, #tpu.memory_space<vmem>>, vector<16xf32>,
          %get3A_248 = arith.index_cast %scan3A_242 : i32 to index
          %get3A_249 = arith.constant 0 : index
          %get3A_250 = tpu.vector_load %arg11[%get3A_248, %get3A_249] {strides = array<i32>} : memref<50x128xf32, #tpu.memory_space<vmem>>, vector<16xf32>,
          %mul3A_251 = arith.mulf %get3A_250, %get3A_244 : vector<16xf32>
          %get3A_252 = arith.index_cast %scan3A_242 : i32 to index
          %get3A_253 = arith.constant 64 : index
          %get3A_254 = tpu.vector_load %arg11[%get3A_252, %get3A_253] {strides = array<i32>} : memref<50x128xf32, #tpu.memory_space<vmem>>, vector<16xf32>,
          %mul3A_255 = arith.mulf %get3A_254, %get3A_244 : vector<16xf32>
          %get3A_256 = arith.index_cast %scan3A_242 : i32 to index
          %get3A_257 = arith.constant 16 : index
          %get3A_258 = tpu.vector_load %arg12[%get3A_256, %get3A_257] {strides = array<i32>} : memref<50x128xf32, #tpu.memory_space<vmem>>, vector<16xf32>,
          %get3A_259 = arith.index_cast %scan3A_242 : i32 to index
          %get3A_260 = arith.constant 80 : index
          %get3A_261 = tpu.vector_load %arg12[%get3A_259, %get3A_260] {strides = array<i32>} : memref<50x128xf32, #tpu.memory_space<vmem>>, vector<16xf32>,
          %get3A_262 = arith.index_cast %scan3A_242 : i32 to index
          %get3A_263 = arith.constant 16 : index
          %get3A_264 = tpu.vector_load %arg11[%get3A_262, %get3A_263] {strides = array<i32>} : memref<50x128xf32, #tpu.memory_space<vmem>>, vector<16xf32>,
          %mul3A_265 = arith.mulf %get3A_264, %get3A_258 : vector<16xf32>
          %get3A_266 = arith.index_cast %scan3A_242 : i32 to index
          %get3A_267 = arith.constant 80 : index
          %get3A_268 = tpu.vector_load %arg11[%get3A_266, %get3A_267] {strides = array<i32>} : memref<50x128xf32, #tpu.memory_space<vmem>>, vector<16xf32>,
          %mul3A_269 = arith.mulf %get3A_268, %get3A_258 : vector<16xf32>
          %get3A_270 = arith.index_cast %scan3A_242 : i32 to index
          %get3A_271 = arith.constant 32 : index
          %get3A_272 = tpu.vector_load %arg12[%get3A_270, %get3A_271] {strides = array<i32>} : memref<50x128xf32, #tpu.memory_space<vmem>>, vector<16xf32>,
          %get3A_273 = arith.index_cast %scan3A_242 : i32 to index
          %get3A_274 = arith.constant 96 : index
          %get3A_275 = tpu.vector_load %arg12[%get3A_273, %get3A_274] {strides = array<i32>} : memref<50x128xf32, #tpu.memory_space<vmem>>, vector<16xf32>,
          %get3A_276 = arith.index_cast %scan3A_242 : i32 to index
          %get3A_277 = arith.constant 32 : index
          %get3A_278 = tpu.vector_load %arg11[%get3A_276, %get3A_277] {strides = array<i32>} : memref<50x128xf32, #tpu.memory_space<vmem>>, vector<16xf32>,
          %mul3A_279 = arith.mulf %get3A_278, %get3A_272 : vector<16xf32>
          %get3A_280 = arith.index_cast %scan3A_242 : i32 to index
          %get3A_281 = arith.constant 96 : index
          %get3A_282 = tpu.vector_load %arg11[%get3A_280, %get3A_281] {strides = array<i32>} : memref<50x128xf32, #tpu.memory_space<vmem>>, vector<16xf32>,
          %mul3A_283 = arith.mulf %get3A_282, %get3A_272 : vector<16xf32>
          %get3A_284 = arith.index_cast %scan3A_242 : i32 to index
          %get3A_285 = arith.constant 48 : index
          %get3A_286 = tpu.vector_load %arg12[%get3A_284, %get3A_285] {strides = array<i32>} : memref<50x128xf32, #tpu.memory_space<vmem>>, vector<16xf32>,
          %get3A_287 = arith.index_cast %scan3A_242 : i32 to index
          %get3A_288 = arith.constant 112 : index
          %get3A_289 = tpu.vector_load %arg12[%get3A_287, %get3A_288] {strides = array<i32>} : memref<50x128xf32, #tpu.memory_space<vmem>>, vector<16xf32>,
          %get3A_290 = arith.index_cast %scan3A_242 : i32 to index
          %get3A_291 = arith.constant 48 : index
          %get3A_292 = tpu.vector_load %arg11[%get3A_290, %get3A_291] {strides = array<i32>} : memref<50x128xf32, #tpu.memory_space<vmem>>, vector<16xf32>,
          %mul3A_293 = arith.mulf %get3A_292, %get3A_286 : vector<16xf32>
          %get3A_294 = arith.index_cast %scan3A_242 : i32 to index
          %get3A_295 = arith.constant 112 : index
          %get3A_296 = tpu.vector_load %arg11[%get3A_294, %get3A_295] {strides = array<i32>} : memref<50x128xf32, #tpu.memory_space<vmem>>, vector<16xf32>,
          %mul3A_297 = arith.mulf %get3A_296, %get3A_286 : vector<16xf32>
          %broadcast_in_dim3A_298 = vector.shape_cast %xor3A_35 : vector<16xi32> to vector<16x1xi32>
          %gather3A = vector.shape_cast %broadcast_in_dim3A_298 : vector<16x1xi32> to vector<16xi32>
          %gather3A_299 = tpu.dynamic_gather %mul3A_251[%gather3A] in [0] : vector<16xf32>, vector<16xi32> -> vector<16xf32>
          %add3A_300 = arith.addf %mul3A_251, %gather3A_299 : vector<16xf32>
          %broadcast_in_dim3A_301 = vector.shape_cast %xor3A_35 : vector<16xi32> to vector<16x1xi32>
          %gather3A_302 = vector.shape_cast %broadcast_in_dim3A_301 : vector<16x1xi32> to vector<16xi32>
          %gather3A_303 = tpu.dynamic_gather %mul3A_255[%gather3A_302] in [0] : vector<16xf32>, vector<16xi32> -> vector<16xf32>
          %add3A_304 = arith.addf %mul3A_255, %gather3A_303 : vector<16xf32>
          %select_n3A = arith.select %eq3A_49, %add3A_300, %add3A_304 : vector<16xi1>, vector<16xf32>
          %broadcast_in_dim3A_305 = vector.shape_cast %xor3A_35 : vector<16xi32> to vector<16x1xi32>
          %gather3A_306 = vector.shape_cast %broadcast_in_dim3A_305 : vector<16x1xi32> to vector<16xi32>
          %gather3A_307 = tpu.dynamic_gather %mul3A_265[%gather3A_306] in [0] : vector<16xf32>, vector<16xi32> -> vector<16xf32>
          %add3A_308 = arith.addf %mul3A_265, %gather3A_307 : vector<16xf32>
          %broadcast_in_dim3A_309 = vector.shape_cast %xor3A_35 : vector<16xi32> to vector<16x1xi32>
          %gather3A_310 = vector.shape_cast %broadcast_in_dim3A_309 : vector<16x1xi32> to vector<16xi32>
          %gather3A_311 = tpu.dynamic_gather %mul3A_269[%gather3A_310] in [0] : vector<16xf32>, vector<16xi32> -> vector<16xf32>
          %add3A_312 = arith.addf %mul3A_269, %gather3A_311 : vector<16xf32>
          %select_n3A_313 = arith.select %eq3A_49, %add3A_308, %add3A_312 : vector<16xi1>, vector<16xf32>
          %broadcast_in_dim3A_314 = vector.shape_cast %xor3A_35 : vector<16xi32> to vector<16x1xi32>
          %gather3A_315 = vector.shape_cast %broadcast_in_dim3A_314 : vector<16x1xi32> to vector<16xi32>
          %gather3A_316 = tpu.dynamic_gather %mul3A_279[%gather3A_315] in [0] : vector<16xf32>, vector<16xi32> -> vector<16xf32>
          %add3A_317 = arith.addf %mul3A_279, %gather3A_316 : vector<16xf32>
          %broadcast_in_dim3A_318 = vector.shape_cast %xor3A_35 : vector<16xi32> to vector<16x1xi32>
          %gather3A_319 = vector.shape_cast %broadcast_in_dim3A_318 : vector<16x1xi32> to vector<16xi32>
          %gather3A_320 = tpu.dynamic_gather %mul3A_283[%gather3A_319] in [0] : vector<16xf32>, vector<16xi32> -> vector<16xf32>
          %add3A_321 = arith.addf %mul3A_283, %gather3A_320 : vector<16xf32>
          %select_n3A_322 = arith.select %eq3A_49, %add3A_317, %add3A_321 : vector<16xi1>, vector<16xf32>
          %broadcast_in_dim3A_323 = vector.shape_cast %xor3A_35 : vector<16xi32> to vector<16x1xi32>
          %gather3A_324 = vector.shape_cast %broadcast_in_dim3A_323 : vector<16x1xi32> to vector<16xi32>
          %gather3A_325 = tpu.dynamic_gather %mul3A_293[%gather3A_324] in [0] : vector<16xf32>, vector<16xi32> -> vector<16xf32>
          %add3A_326 = arith.addf %mul3A_293, %gather3A_325 : vector<16xf32>
          %broadcast_in_dim3A_327 = vector.shape_cast %xor3A_35 : vector<16xi32> to vector<16x1xi32>
          %gather3A_328 = vector.shape_cast %broadcast_in_dim3A_327 : vector<16x1xi32> to vector<16xi32>
          %gather3A_329 = tpu.dynamic_gather %mul3A_297[%gather3A_328] in [0] : vector<16xf32>, vector<16xi32> -> vector<16xf32>
          %add3A_330 = arith.addf %mul3A_297, %gather3A_329 : vector<16xf32>
          %select_n3A_331 = arith.select %eq3A_49, %add3A_326, %add3A_330 : vector<16xi1>, vector<16xf32>
          %broadcast_in_dim3A_332 = vector.shape_cast %xor3A_38 : vector<16xi32> to vector<16x1xi32>
          %gather3A_333 = vector.shape_cast %broadcast_in_dim3A_332 : vector<16x1xi32> to vector<16xi32>
          %gather3A_334 = tpu.dynamic_gather %select_n3A[%gather3A_333] in [0] : vector<16xf32>, vector<16xi32> -> vector<16xf32>
          %add3A_335 = arith.addf %select_n3A, %gather3A_334 : vector<16xf32>
          %broadcast_in_dim3A_336 = vector.shape_cast %xor3A_38 : vector<16xi32> to vector<16x1xi32>
          %gather3A_337 = vector.shape_cast %broadcast_in_dim3A_336 : vector<16x1xi32> to vector<16xi32>
          %gather3A_338 = tpu.dynamic_gather %select_n3A_313[%gather3A_337] in [0] : vector<16xf32>, vector<16xi32> -> vector<16xf32>
          %add3A_339 = arith.addf %select_n3A_313, %gather3A_338 : vector<16xf32>
          %select_n3A_340 = arith.select %eq3A_55, %add3A_335, %add3A_339 : vector<16xi1>, vector<16xf32>
          %broadcast_in_dim3A_341 = vector.shape_cast %xor3A_38 : vector<16xi32> to vector<16x1xi32>
          %gather3A_342 = vector.shape_cast %broadcast_in_dim3A_341 : vector<16x1xi32> to vector<16xi32>
          %gather3A_343 = tpu.dynamic_gather %select_n3A_322[%gather3A_342] in [0] : vector<16xf32>, vector<16xi32> -> vector<16xf32>
          %add3A_344 = arith.addf %select_n3A_322, %gather3A_343 : vector<16xf32>
          %broadcast_in_dim3A_345 = vector.shape_cast %xor3A_38 : vector<16xi32> to vector<16x1xi32>
          %gather3A_346 = vector.shape_cast %broadcast_in_dim3A_345 : vector<16x1xi32> to vector<16xi32>
          %gather3A_347 = tpu.dynamic_gather %select_n3A_331[%gather3A_346] in [0] : vector<16xf32>, vector<16xi32> -> vector<16xf32>
          %add3A_348 = arith.addf %select_n3A_331, %gather3A_347 : vector<16xf32>
          %select_n3A_349 = arith.select %eq3A_55, %add3A_344, %add3A_348 : vector<16xi1>, vector<16xf32>
          %broadcast_in_dim3A_350 = vector.shape_cast %xor3A_41 : vector<16xi32> to vector<16x1xi32>
          %gather3A_351 = vector.shape_cast %broadcast_in_dim3A_350 : vector<16x1xi32> to vector<16xi32>
          %gather3A_352 = tpu.dynamic_gather %select_n3A_340[%gather3A_351] in [0] : vector<16xf32>, vector<16xi32> -> vector<16xf32>
          %add3A_353 = arith.addf %select_n3A_340, %gather3A_352 : vector<16xf32>
          %broadcast_in_dim3A_354 = vector.shape_cast %xor3A_41 : vector<16xi32> to vector<16x1xi32>
          %gather3A_355 = vector.shape_cast %broadcast_in_dim3A_354 : vector<16x1xi32> to vector<16xi32>
          %gather3A_356 = tpu.dynamic_gather %select_n3A_349[%gather3A_355] in [0] : vector<16xf32>, vector<16xi32> -> vector<16xf32>
          %add3A_357 = arith.addf %select_n3A_349, %gather3A_356 : vector<16xf32>
          %select_n3A_358 = arith.select %eq3A_61, %add3A_353, %add3A_357 : vector<16xi1>, vector<16xf32>
          %broadcast_in_dim3A_359 = vector.shape_cast %xor3A_44 : vector<16xi32> to vector<16x1xi32>
          %gather3A_360 = vector.shape_cast %broadcast_in_dim3A_359 : vector<16x1xi32> to vector<16xi32>
          %gather3A_361 = tpu.dynamic_gather %select_n3A_358[%gather3A_360] in [0] : vector<16xf32>, vector<16xi32> -> vector<16xf32>
          %add3A_362 = arith.addf %select_n3A_358, %gather3A_361 : vector<16xf32>
          %jit3A = arith.constant -5.000000e+00 : f32
          %jit3A_363 = arith.constant 5.000000e+00 : f32
          %max3A = vector.broadcast %jit3A : f32 to vector<16xf32>
          %max3A_364 = arith.maximumf %max3A, %add3A_362 : vector<16xf32>
          %min3A = vector.broadcast %jit3A_363 : f32 to vector<16xf32>
          %min3A_365 = arith.minimumf %min3A, %max3A_364 : vector<16xf32>
          %exp3A = math.exp %min3A_365 : vector<16xf32>
          %broadcast_in_dim3A_366 = vector.shape_cast %broadcast_in_dim3A_63 : vector<16xi32> to vector<16x1xi32>
          %gather3A_367 = vector.shape_cast %broadcast_in_dim3A_366 : vector<16x1xi32> to vector<16xi32>
          %gather3A_368 = tpu.dynamic_gather %exp3A[%gather3A_367] in [0] : vector<16xf32>, vector<16xi32> -> vector<16xf32>
          %mul3A_369 = arith.mulf %get3A_247, %gather3A_368 : vector<16xf32>
          %swap3A = arith.index_cast %scan3A_242 : i32 to index
          %swap3A_370 = arith.constant 0 : index
          %swap3A_371 = tpu.vector_load %arg14[%swap3A, %swap3A_370] {strides = array<i32>} : memref<50x128xf32, #tpu.memory_space<vmem>>, vector<16xf32>,
          tpu.vector_store %arg14[%swap3A, %swap3A_370], %mul3A_369 {strides = array<i32>} : memref<50x128xf32, #tpu.memory_space<vmem>>, vector<16xf32>,
          %broadcast_in_dim3A_372 = vector.shape_cast %broadcast_in_dim3A_65 : vector<16xi32> to vector<16x1xi32>
          %gather3A_373 = vector.shape_cast %broadcast_in_dim3A_372 : vector<16x1xi32> to vector<16xi32>
          %gather3A_374 = tpu.dynamic_gather %exp3A[%gather3A_373] in [0] : vector<16xf32>, vector<16xi32> -> vector<16xf32>
          %mul3A_375 = arith.mulf %get3A_247, %gather3A_374 : vector<16xf32>
          %swap3A_376 = arith.index_cast %scan3A_242 : i32 to index
          %swap3A_377 = arith.constant 64 : index
          %swap3A_378 = tpu.vector_load %arg14[%swap3A_376, %swap3A_377] {strides = array<i32>} : memref<50x128xf32, #tpu.memory_space<vmem>>, vector<16xf32>,
          tpu.vector_store %arg14[%swap3A_376, %swap3A_377], %mul3A_375 {strides = array<i32>} : memref<50x128xf32, #tpu.memory_space<vmem>>, vector<16xf32>,
          %broadcast_in_dim3A_379 = vector.shape_cast %broadcast_in_dim3A_67 : vector<16xi32> to vector<16x1xi32>
          %gather3A_380 = vector.shape_cast %broadcast_in_dim3A_379 : vector<16x1xi32> to vector<16xi32>
          %gather3A_381 = tpu.dynamic_gather %exp3A[%gather3A_380] in [0] : vector<16xf32>, vector<16xi32> -> vector<16xf32>
          %mul3A_382 = arith.mulf %get3A_261, %gather3A_381 : vector<16xf32>
          %swap3A_383 = arith.index_cast %scan3A_242 : i32 to index
          %swap3A_384 = arith.constant 16 : index
          %swap3A_385 = tpu.vector_load %arg14[%swap3A_383, %swap3A_384] {strides = array<i32>} : memref<50x128xf32, #tpu.memory_space<vmem>>, vector<16xf32>,
          tpu.vector_store %arg14[%swap3A_383, %swap3A_384], %mul3A_382 {strides = array<i32>} : memref<50x128xf32, #tpu.memory_space<vmem>>, vector<16xf32>,
          %broadcast_in_dim3A_386 = vector.shape_cast %broadcast_in_dim3A_69 : vector<16xi32> to vector<16x1xi32>
          %gather3A_387 = vector.shape_cast %broadcast_in_dim3A_386 : vector<16x1xi32> to vector<16xi32>
          %gather3A_388 = tpu.dynamic_gather %exp3A[%gather3A_387] in [0] : vector<16xf32>, vector<16xi32> -> vector<16xf32>
          %mul3A_389 = arith.mulf %get3A_261, %gather3A_388 : vector<16xf32>
          %swap3A_390 = arith.index_cast %scan3A_242 : i32 to index
          %swap3A_391 = arith.constant 80 : index
          %swap3A_392 = tpu.vector_load %arg14[%swap3A_390, %swap3A_391] {strides = array<i32>} : memref<50x128xf32, #tpu.memory_space<vmem>>, vector<16xf32>,
          tpu.vector_store %arg14[%swap3A_390, %swap3A_391], %mul3A_389 {strides = array<i32>} : memref<50x128xf32, #tpu.memory_space<vmem>>, vector<16xf32>,
          %broadcast_in_dim3A_393 = vector.shape_cast %broadcast_in_dim3A_71 : vector<16xi32> to vector<16x1xi32>
          %gather3A_394 = vector.shape_cast %broadcast_in_dim3A_393 : vector<16x1xi32> to vector<16xi32>
          %gather3A_395 = tpu.dynamic_gather %exp3A[%gather3A_394] in [0] : vector<16xf32>, vector<16xi32> -> vector<16xf32>
          %mul3A_396 = arith.mulf %get3A_275, %gather3A_395 : vector<16xf32>
          %swap3A_397 = arith.index_cast %scan3A_242 : i32 to index
          %swap3A_398 = arith.constant 32 : index
          %swap3A_399 = tpu.vector_load %arg14[%swap3A_397, %swap3A_398] {strides = array<i32>} : memref<50x128xf32, #tpu.memory_space<vmem>>, vector<16xf32>,
          tpu.vector_store %arg14[%swap3A_397, %swap3A_398], %mul3A_396 {strides = array<i32>} : memref<50x128xf32, #tpu.memory_space<vmem>>, vector<16xf32>,
          %broadcast_in_dim3A_400 = vector.shape_cast %broadcast_in_dim3A_73 : vector<16xi32> to vector<16x1xi32>
          %gather3A_401 = vector.shape_cast %broadcast_in_dim3A_400 : vector<16x1xi32> to vector<16xi32>
          %gather3A_402 = tpu.dynamic_gather %exp3A[%gather3A_401] in [0] : vector<16xf32>, vector<16xi32> -> vector<16xf32>
          %mul3A_403 = arith.mulf %get3A_275, %gather3A_402 : vector<16xf32>
          %swap3A_404 = arith.index_cast %scan3A_242 : i32 to index
          %swap3A_405 = arith.constant 96 : index
          %swap3A_406 = tpu.vector_load %arg14[%swap3A_404, %swap3A_405] {strides = array<i32>} : memref<50x128xf32, #tpu.memory_space<vmem>>, vector<16xf32>,
          tpu.vector_store %arg14[%swap3A_404, %swap3A_405], %mul3A_403 {strides = array<i32>} : memref<50x128xf32, #tpu.memory_space<vmem>>, vector<16xf32>,
          %broadcast_in_dim3A_407 = vector.shape_cast %broadcast_in_dim3A_75 : vector<16xi32> to vector<16x1xi32>
          %gather3A_408 = vector.shape_cast %broadcast_in_dim3A_407 : vector<16x1xi32> to vector<16xi32>
          %gather3A_409 = tpu.dynamic_gather %exp3A[%gather3A_408] in [0] : vector<16xf32>, vector<16xi32> -> vector<16xf32>
          %mul3A_410 = arith.mulf %get3A_289, %gather3A_409 : vector<16xf32>
          %swap3A_411 = arith.index_cast %scan3A_242 : i32 to index
          %swap3A_412 = arith.constant 48 : index
          %swap3A_413 = tpu.vector_load %arg14[%swap3A_411, %swap3A_412] {strides = array<i32>} : memref<50x128xf32, #tpu.memory_space<vmem>>, vector<16xf32>,
          tpu.vector_store %arg14[%swap3A_411, %swap3A_412], %mul3A_410 {strides = array<i32>} : memref<50x128xf32, #tpu.memory_space<vmem>>, vector<16xf32>,
          %broadcast_in_dim3A_414 = vector.shape_cast %broadcast_in_dim3A_77 : vector<16xi32> to vector<16x1xi32>
          %gather3A_415 = vector.shape_cast %broadcast_in_dim3A_414 : vector<16x1xi32> to vector<16xi32>
          %gather3A_416 = tpu.dynamic_gather %exp3A[%gather3A_415] in [0] : vector<16xf32>, vector<16xi32> -> vector<16xf32>
          %mul3A_417 = arith.mulf %get3A_289, %gather3A_416 : vector<16xf32>
          %swap3A_418 = arith.index_cast %scan3A_242 : i32 to index
          %swap3A_419 = arith.constant 112 : index
          %swap3A_420 = tpu.vector_load %arg14[%swap3A_418, %swap3A_419] {strides = array<i32>} : memref<50x128xf32, #tpu.memory_space<vmem>>, vector<16xf32>,
          tpu.vector_store %arg14[%swap3A_418, %swap3A_419], %mul3A_417 {strides = array<i32>} : memref<50x128xf32, #tpu.memory_space<vmem>>, vector<16xf32>,
        }
        %scan3A_233 = arith.constant 50 : i32
        %add3A_234 = arith.constant 1 : i32
        %add3A_235 = arith.addi %mul3A_138, %add3A_234 : i32
        %dma_start3A_236 = arith.constant 0 : i32
        %dma_start3A_237 = tpu.memref_slice %arg8[%add3A_235, %dma_start3A_236] : memref<8x50xi32, #tpu.memory_space<vmem>> -> memref<1x50xi32, #tpu.memory_space<vmem>>
        %dma_start3A_238 = tpu.memref_squeeze %dma_start3A_237 : memref<1x50xi32, #tpu.memory_space<vmem>> -> memref<50xi32, #tpu.memory_space<vmem>>
        %dma_start3A_239 = arith.constant 0 : i32
        %dma_start3A_240 = arith.constant 0 : i32
        %dma_start3A_241 = tpu.memref_slice %arg15[%dma_start3A_239, %dma_start3A_240] : memref<10000x128xf32, #tpu.memory_space<vmem_shared>> -> memref<10000x128xf32, #tpu.memory_space<vmem_shared>>
        tpu.enqueue_indirect_dma source(%arg14 : memref<50x128xf32, #tpu.memory_space<vmem>>) target(%dma_start3A_241 : memref<10000x128xf32, #tpu.memory_space<vmem_shared>>) offsets(%dma_start3A_238 : memref<50xi32, #tpu.memory_space<vmem>>) semaphore(%arg19 : memref<!tpu.dma_semaphore, #tpu.memory_space<semaphore_mem>>) {add = true}
      }
      %scan3A_122 = arith.constant 4 : i32
      %dma_wait3A = arith.constant 0 : i32
      %dma_wait3A_123 = arith.constant 0 : i32
      %dma_wait3A_124 = tpu.memref_slice %arg8[%dma_wait3A, %dma_wait3A_123] : memref<8x50xi32, #tpu.memory_space<vmem>> -> memref<1x50xi32, #tpu.memory_space<vmem>>
      %dma_wait3A_125 = tpu.memref_squeeze %dma_wait3A_124 : memref<1x50xi32, #tpu.memory_space<vmem>> -> memref<50xi32, #tpu.memory_space<vmem>>
      %dma_wait3A_126 = arith.constant 0 : i32
      %dma_wait3A_127 = arith.constant 0 : i32
      %dma_wait3A_128 = tpu.memref_slice %arg15[%dma_wait3A_126, %dma_wait3A_127] : memref<10000x128xf32, #tpu.memory_space<vmem_shared>> -> memref<10000x128xf32, #tpu.memory_space<vmem_shared>>
      tpu.wait_indirect_dma semaphore(%arg18 : memref<!tpu.dma_semaphore, #tpu.memory_space<semaphore_mem>>) src(%arg13 : memref<50x128xf32, #tpu.memory_space<vmem>>) dst(%dma_wait3A_128 : memref<10000x128xf32, #tpu.memory_space<vmem_shared>>)
      %dma_wait3A_129 = arith.constant 0 : i32
      %dma_wait3A_130 = arith.constant 0 : i32
      %dma_wait3A_131 = tpu.memref_slice %arg8[%dma_wait3A_129, %dma_wait3A_130] : memref<8x50xi32, #tpu.memory_space<vmem>> -> memref<1x50xi32, #tpu.memory_space<vmem>>
      %dma_wait3A_132 = tpu.memref_squeeze %dma_wait3A_131 : memref<1x50xi32, #tpu.memory_space<vmem>> -> memref<50xi32, #tpu.memory_space<vmem>>
      %dma_wait3A_133 = arith.constant 0 : i32
      %dma_wait3A_134 = arith.constant 0 : i32
      %dma_wait3A_135 = tpu.memref_slice %arg15[%dma_wait3A_133, %dma_wait3A_134] : memref<10000x128xf32, #tpu.memory_space<vmem_shared>> -> memref<10000x128xf32, #tpu.memory_space<vmem_shared>>
      tpu.wait_indirect_dma semaphore(%arg19 : memref<!tpu.dma_semaphore, #tpu.memory_space<semaphore_mem>>) src(%arg14 : memref<50x128xf32, #tpu.memory_space<vmem>>) dst(%dma_wait3A_135 : memref<10000x128xf32, #tpu.memory_space<vmem_shared>>)
    }
    %scan3A_83 = arith.constant 50 : i32
    %barrier3A_84 = arith.constant 0 : index
    tpu.barrier barrier_id(%barrier3A_84)
    "tpu.region"() ({
      %run_scoped3A = tpu.sem_alloc : memref<!tpu.dma_semaphore, #tpu.memory_space<semaphore_mem>>
      %dma_start3A = arith.constant 0 : i32
      %dma_start3A_90 = tpu.memref_slice %arg6[%arg0, %mul3A_6, %dma_start3A] : memref<2x10000x128xf32, #tpu.memory_space<hbm>> -> memref<1x624x128xf32, #tpu.memory_space<hbm>>
      %dma_start3A_91 = tpu.memref_squeeze %dma_start3A_90 : memref<1x624x128xf32, #tpu.memory_space<hbm>> -> memref<624x128xf32, #tpu.memory_space<hbm>>
      %dma_start3A_92 = arith.constant 0 : i32
      %dma_start3A_93 = tpu.memref_slice %arg15[%mul3A_6, %dma_start3A_92] : memref<10000x128xf32, #tpu.memory_space<vmem_shared>> -> memref<624x128xf32, #tpu.memory_space<vmem_shared>>
      tpu.enqueue_dma source(%dma_start3A_93 : memref<624x128xf32, #tpu.memory_space<vmem_shared>>) target(%dma_start3A_91 : memref<624x128xf32, #tpu.memory_space<hbm>>) target_semaphore(%run_scoped3A : memref<!tpu.dma_semaphore, #tpu.memory_space<semaphore_mem>>)
      %dma_wait3A = arith.constant 0 : i32
      %dma_wait3A_94 = tpu.memref_slice %arg6[%arg0, %mul3A_6, %dma_wait3A] : memref<2x10000x128xf32, #tpu.memory_space<hbm>> -> memref<1x624x128xf32, #tpu.memory_space<hbm>>
      %dma_wait3A_95 = tpu.memref_squeeze %dma_wait3A_94 : memref<1x624x128xf32, #tpu.memory_space<hbm>> -> memref<624x128xf32, #tpu.memory_space<hbm>>
      %dma_wait3A_96 = arith.constant 0 : i32
      %dma_wait3A_97 = tpu.memref_slice %arg15[%mul3A_6, %dma_wait3A_96] : memref<10000x128xf32, #tpu.memory_space<vmem_shared>> -> memref<624x128xf32, #tpu.memory_space<vmem_shared>>
      tpu.wait_dma2 semaphore(%run_scoped3A : memref<!tpu.dma_semaphore, #tpu.memory_space<semaphore_mem>>) src(%dma_wait3A_97 : memref<624x128xf32, #tpu.memory_space<vmem_shared>>) dst(%dma_wait3A_95 : memref<624x128xf32, #tpu.memory_space<hbm>>)
      tpu.yield
    }) : () -> ()
    %eq3A_85 = arith.constant 15 : i32
    %eq3A_86 = arith.cmpi eq, %arg1, %eq3A_85 : i32
    %convert_element_type3A_87 = arith.extui %eq3A_86 : i1 to i32
    %cond3A_88 = arith.constant 0 : i32
    %cond3A_89 = arith.cmpi ne, %convert_element_type3A_87, %cond3A_88 : i32
    scf.if %cond3A_89 {
      "tpu.region"() ({
        %run_scoped3A = tpu.sem_alloc : memref<!tpu.dma_semaphore, #tpu.memory_space<semaphore_mem>>
        %dma_start3A = arith.constant 9984 : i32
        %dma_start3A_90 = arith.constant 0 : i32
        %dma_start3A_91 = tpu.memref_slice %arg6[%arg0, %dma_start3A, %dma_start3A_90] : memref<2x10000x128xf32, #tpu.memory_space<hbm>> -> memref<1x16x128xf32, #tpu.memory_space<hbm>>
        %dma_start3A_92 = tpu.memref_squeeze %dma_start3A_91 : memref<1x16x128xf32, #tpu.memory_space<hbm>> -> memref<16x128xf32, #tpu.memory_space<hbm>>
        %dma_start3A_93 = arith.constant 9984 : i32
        %dma_start3A_94 = arith.constant 0 : i32
        %dma_start3A_95 = tpu.memref_slice %arg15[%dma_start3A_93, %dma_start3A_94] : memref<10000x128xf32, #tpu.memory_space<vmem_shared>> -> memref<16x128xf32, #tpu.memory_space<vmem_shared>>
        tpu.enqueue_dma source(%dma_start3A_95 : memref<16x128xf32, #tpu.memory_space<vmem_shared>>) target(%dma_start3A_92 : memref<16x128xf32, #tpu.memory_space<hbm>>) target_semaphore(%run_scoped3A : memref<!tpu.dma_semaphore, #tpu.memory_space<semaphore_mem>>)
        %dma_wait3A = arith.constant 9984 : i32
        %dma_wait3A_96 = arith.constant 0 : i32
        %dma_wait3A_97 = tpu.memref_slice %arg6[%arg0, %dma_wait3A, %dma_wait3A_96] : memref<2x10000x128xf32, #tpu.memory_space<hbm>> -> memref<1x16x128xf32, #tpu.memory_space<hbm>>
        %dma_wait3A_98 = tpu.memref_squeeze %dma_wait3A_97 : memref<1x16x128xf32, #tpu.memory_space<hbm>> -> memref<16x128xf32, #tpu.memory_space<hbm>>
        %dma_wait3A_99 = arith.constant 9984 : i32
        %dma_wait3A_100 = arith.constant 0 : i32
        %dma_wait3A_101 = tpu.memref_slice %arg15[%dma_wait3A_99, %dma_wait3A_100] : memref<10000x128xf32, #tpu.memory_space<vmem_shared>> -> memref<16x128xf32, #tpu.memory_space<vmem_shared>>
        tpu.wait_dma2 semaphore(%run_scoped3A : memref<!tpu.dma_semaphore, #tpu.memory_space<semaphore_mem>>) src(%dma_wait3A_101 : memref<16x128xf32, #tpu.memory_space<vmem_shared>>) dst(%dma_wait3A_98 : memref<16x128xf32, #tpu.memory_space<hbm>>)
        tpu.yield
      }) : () -> ()
    } else {
    }
    return
  }
}

module attributes {stable_mosaic.version = 14 : i64} {
  func.func @_proj_body(%arg0: i32, %arg1: memref<1000x128xf32, #tpu.memory_space<vmem>>, %arg2: memref<1000x128xf32, #tpu.memory_space<vmem>>, %arg3: memref<128x128xf32, #tpu.memory_space<vmem>>, %arg4: memref<128x128xf32, #tpu.memory_space<vmem>>, %arg5: memref<128x128xf32, #tpu.memory_space<vmem>>, %arg6: memref<128x128xf32, #tpu.memory_space<vmem>>, %arg7: memref<2x1000x128xf32, #tpu.memory_space<vmem>>, %arg8: memref<2x1000x128xf32, #tpu.memory_space<vmem>>) attributes {dimension_semantics = [#tpu.dimension_semantics<arbitrary>], iteration_bounds = array<i64: 10>, scalar_prefetch = 0 : i64, scratch_operands = 0 : i64, tpu.core_type = #tpu.core_type<tc>, window_params = [{transform_indices = @transform_0, window_bounds = array<i64: 1000, 128>}, {transform_indices = @transform_1, window_bounds = array<i64: 1000, 128>}, {pipeline_mode = #tpu.pipeline_mode<synchronous>, transform_indices = @transform_2, window_bounds = array<i64: 128, 128>}, {pipeline_mode = #tpu.pipeline_mode<synchronous>, transform_indices = @transform_3, window_bounds = array<i64: 128, 128>}, {pipeline_mode = #tpu.pipeline_mode<synchronous>, transform_indices = @transform_4, window_bounds = array<i64: 128, 128>}, {pipeline_mode = #tpu.pipeline_mode<synchronous>, transform_indices = @transform_5, window_bounds = array<i64: 128, 128>}, {transform_indices = @transform_6, window_bounds = array<i64: 2, 1000, 128>}, {transform_indices = @transform_7, window_bounds = array<i64: 2, 1000, 128>}]} {
    %get3A = arith.constant 0 : index
    %get3A_0 = arith.constant 0 : index
    %get3A_1 = vector.load %arg1[%get3A, %get3A_0] : memref<1000x128xf32, #tpu.memory_space<vmem>>, vector<1000x128xf32>
    %get3A_2 = arith.constant 0 : index
    %get3A_3 = arith.constant 0 : index
    %get3A_4 = vector.load %arg2[%get3A_2, %get3A_3] : memref<1000x128xf32, #tpu.memory_space<vmem>>, vector<1000x128xf32>
    %get3A_5 = arith.constant 0 : index
    %get3A_6 = arith.constant 0 : index
    %get3A_7 = vector.load %arg3[%get3A_5, %get3A_6] : memref<128x128xf32, #tpu.memory_space<vmem>>, vector<128x128xf32>
    %dot_general3A = arith.constant dense<0.000000e+00> : vector<1000x128xf32>
    %dot_general3A_8 = tpu.matmul %get3A_1, %get3A_7, %dot_general3A {dimension_numbers = #tpu.dot_dimension_numbers<[1], [0], [0], [1], [0, 0, 1, 1], [], []>, transpose_lhs_hint = false} : vector<1000x128xf32>, vector<128x128xf32>, vector<1000x128xf32> -> vector<1000x128xf32>
    %mul3A = arith.constant 0.0883883461 : f32
    %mul3A_9 = vector.broadcast %mul3A : f32 to vector<1000x128xf32>
    %mul3A_10 = arith.mulf %dot_general3A_8, %mul3A_9 : vector<1000x128xf32>
    %get3A_11 = arith.constant 0 : index
    %get3A_12 = arith.constant 0 : index
    %get3A_13 = vector.load %arg4[%get3A_11, %get3A_12] : memref<128x128xf32, #tpu.memory_space<vmem>>, vector<128x128xf32>
    %dot_general3A_14 = arith.constant dense<0.000000e+00> : vector<1000x128xf32>
    %dot_general3A_15 = tpu.matmul %get3A_4, %get3A_13, %dot_general3A_14 {dimension_numbers = #tpu.dot_dimension_numbers<[1], [0], [0], [1], [0, 0, 1, 1], [], []>, transpose_lhs_hint = false} : vector<1000x128xf32>, vector<128x128xf32>, vector<1000x128xf32> -> vector<1000x128xf32>
    %mul3A_16 = arith.constant 0.0883883461 : f32
    %mul3A_17 = vector.broadcast %mul3A_16 : f32 to vector<1000x128xf32>
    %mul3A_18 = arith.mulf %dot_general3A_15, %mul3A_17 : vector<1000x128xf32>
    %get3A_19 = arith.constant 0 : index
    %get3A_20 = arith.constant 0 : index
    %get3A_21 = vector.load %arg5[%get3A_19, %get3A_20] : memref<128x128xf32, #tpu.memory_space<vmem>>, vector<128x128xf32>
    %dot_general3A_22 = arith.constant dense<0.000000e+00> : vector<1000x128xf32>
    %dot_general3A_23 = tpu.matmul %get3A_1, %get3A_21, %dot_general3A_22 {dimension_numbers = #tpu.dot_dimension_numbers<[1], [0], [0], [1], [0, 0, 1, 1], [], []>, transpose_lhs_hint = false} : vector<1000x128xf32>, vector<128x128xf32>, vector<1000x128xf32> -> vector<1000x128xf32>
    %get3A_24 = arith.constant 0 : index
    %get3A_25 = arith.constant 0 : index
    %get3A_26 = vector.load %arg6[%get3A_24, %get3A_25] : memref<128x128xf32, #tpu.memory_space<vmem>>, vector<128x128xf32>
    %dot_general3A_27 = arith.constant dense<0.000000e+00> : vector<1000x128xf32>
    %dot_general3A_28 = tpu.matmul %get3A_1, %get3A_26, %dot_general3A_27 {dimension_numbers = #tpu.dot_dimension_numbers<[1], [0], [0], [1], [0, 0, 1, 1], [], []>, transpose_lhs_hint = false} : vector<1000x128xf32>, vector<128x128xf32>, vector<1000x128xf32> -> vector<1000x128xf32>
    %slice3A = vector.extract_strided_slice %mul3A_10 {offsets = [0, 0], sizes = [1000, 64], strides = [1, 1]} : vector<1000x128xf32> to vector<1000x64xf32>
    %slice3A_29 = vector.extract_strided_slice %mul3A_18 {offsets = [0, 0], sizes = [1000, 64], strides = [1, 1]} : vector<1000x128xf32> to vector<1000x64xf32>
    %concatenate3A = tpu.concatenate %slice3A, %slice3A_29 in 1 : vector<1000x64xf32>, vector<1000x64xf32> -> vector<1000x128xf32>
    %swap3A = arith.constant 0 : index
    %swap3A_30 = arith.constant 0 : index
    %swap3A_31 = arith.constant 0 : index
    %swap3A_32 = vector.load %arg7[%swap3A, %swap3A_30, %swap3A_31] : memref<2x1000x128xf32, #tpu.memory_space<vmem>>, vector<1x1000x128xf32>
    %swap3A_33 = vector.shape_cast %swap3A_32 : vector<1x1000x128xf32> to vector<1000x128xf32>
    %swap3A_34 = vector.shape_cast %concatenate3A : vector<1000x128xf32> to vector<1x1000x128xf32>
    tpu.vector_store %arg7[%swap3A, %swap3A_30, %swap3A_31], %swap3A_34 {strides = array<i32>} : memref<2x1000x128xf32, #tpu.memory_space<vmem>>, vector<1x1000x128xf32>,
    %slice3A_35 = vector.extract_strided_slice %mul3A_10 {offsets = [0, 64], sizes = [1000, 64], strides = [1, 1]} : vector<1000x128xf32> to vector<1000x64xf32>
    %slice3A_36 = vector.extract_strided_slice %mul3A_18 {offsets = [0, 64], sizes = [1000, 64], strides = [1, 1]} : vector<1000x128xf32> to vector<1000x64xf32>
    %concatenate3A_37 = tpu.concatenate %slice3A_35, %slice3A_36 in 1 : vector<1000x64xf32>, vector<1000x64xf32> -> vector<1000x128xf32>
    %swap3A_38 = arith.constant 1 : index
    %swap3A_39 = arith.constant 0 : index
    %swap3A_40 = arith.constant 0 : index
    %swap3A_41 = vector.load %arg7[%swap3A_38, %swap3A_39, %swap3A_40] : memref<2x1000x128xf32, #tpu.memory_space<vmem>>, vector<1x1000x128xf32>
    %swap3A_42 = vector.shape_cast %swap3A_41 : vector<1x1000x128xf32> to vector<1000x128xf32>
    %swap3A_43 = vector.shape_cast %concatenate3A_37 : vector<1000x128xf32> to vector<1x1000x128xf32>
    tpu.vector_store %arg7[%swap3A_38, %swap3A_39, %swap3A_40], %swap3A_43 {strides = array<i32>} : memref<2x1000x128xf32, #tpu.memory_space<vmem>>, vector<1x1000x128xf32>,
    %slice3A_44 = vector.extract_strided_slice %dot_general3A_23 {offsets = [0, 0], sizes = [1000, 64], strides = [1, 1]} : vector<1000x128xf32> to vector<1000x64xf32>
    %slice3A_45 = vector.extract_strided_slice %dot_general3A_28 {offsets = [0, 0], sizes = [1000, 64], strides = [1, 1]} : vector<1000x128xf32> to vector<1000x64xf32>
    %concatenate3A_46 = tpu.concatenate %slice3A_44, %slice3A_45 in 1 : vector<1000x64xf32>, vector<1000x64xf32> -> vector<1000x128xf32>
    %swap3A_47 = arith.constant 0 : index
    %swap3A_48 = arith.constant 0 : index
    %swap3A_49 = arith.constant 0 : index
    %swap3A_50 = vector.load %arg8[%swap3A_47, %swap3A_48, %swap3A_49] : memref<2x1000x128xf32, #tpu.memory_space<vmem>>, vector<1x1000x128xf32>
    %swap3A_51 = vector.shape_cast %swap3A_50 : vector<1x1000x128xf32> to vector<1000x128xf32>
    %swap3A_52 = vector.shape_cast %concatenate3A_46 : vector<1000x128xf32> to vector<1x1000x128xf32>
    tpu.vector_store %arg8[%swap3A_47, %swap3A_48, %swap3A_49], %swap3A_52 {strides = array<i32>} : memref<2x1000x128xf32, #tpu.memory_space<vmem>>, vector<1x1000x128xf32>,
    %slice3A_53 = vector.extract_strided_slice %dot_general3A_23 {offsets = [0, 64], sizes = [1000, 64], strides = [1, 1]} : vector<1000x128xf32> to vector<1000x64xf32>
    %slice3A_54 = vector.extract_strided_slice %dot_general3A_28 {offsets = [0, 64], sizes = [1000, 64], strides = [1, 1]} : vector<1000x128xf32> to vector<1000x64xf32>
    %concatenate3A_55 = tpu.concatenate %slice3A_53, %slice3A_54 in 1 : vector<1000x64xf32>, vector<1000x64xf32> -> vector<1000x128xf32>
    %swap3A_56 = arith.constant 1 : index
    %swap3A_57 = arith.constant 0 : index
    %swap3A_58 = arith.constant 0 : index
    %swap3A_59 = vector.load %arg8[%swap3A_56, %swap3A_57, %swap3A_58] : memref<2x1000x128xf32, #tpu.memory_space<vmem>>, vector<1x1000x128xf32>
    %swap3A_60 = vector.shape_cast %swap3A_59 : vector<1x1000x128xf32> to vector<1000x128xf32>
    %swap3A_61 = vector.shape_cast %concatenate3A_55 : vector<1000x128xf32> to vector<1x1000x128xf32>
    tpu.vector_store %arg8[%swap3A_56, %swap3A_57, %swap3A_58], %swap3A_61 {strides = array<i32>} : memref<2x1000x128xf32, #tpu.memory_space<vmem>>, vector<1x1000x128xf32>,
    return
  }
  func.func @transform_0(%arg0: i32) -> (i32, i32) {
    %c0_i32 = arith.constant 0 : i32
    %c0_i32_0 = arith.constant 0 : i32
    return %arg0, %c0_i32 : i32, i32
  }
  func.func @transform_1(%arg0: i32) -> (i32, i32) {
    %c0_i32 = arith.constant 0 : i32
    %c0_i32_0 = arith.constant 0 : i32
    return %arg0, %c0_i32 : i32, i32
  }
  func.func @transform_2(%arg0: i32) -> (i32, i32) {
    %c0_i32 = arith.constant 0 : i32
    %c0_i32_0 = arith.constant 0 : i32
    %c0_i32_1 = arith.constant 0 : i32
    return %c0_i32, %c0_i32_0 : i32, i32
  }
  func.func @transform_3(%arg0: i32) -> (i32, i32) {
    %c0_i32 = arith.constant 0 : i32
    %c0_i32_0 = arith.constant 0 : i32
    %c0_i32_1 = arith.constant 0 : i32
    return %c0_i32, %c0_i32_0 : i32, i32
  }
  func.func @transform_4(%arg0: i32) -> (i32, i32) {
    %c0_i32 = arith.constant 0 : i32
    %c0_i32_0 = arith.constant 0 : i32
    %c0_i32_1 = arith.constant 0 : i32
    return %c0_i32, %c0_i32_0 : i32, i32
  }
  func.func @transform_5(%arg0: i32) -> (i32, i32) {
    %c0_i32 = arith.constant 0 : i32
    %c0_i32_0 = arith.constant 0 : i32
    %c0_i32_1 = arith.constant 0 : i32
    return %c0_i32, %c0_i32_0 : i32, i32
  }
  func.func @transform_6(%arg0: i32) -> (i32, i32, i32) {
    %c0_i32 = arith.constant 0 : i32
    %c0_i32_0 = arith.constant 0 : i32
    %c0_i32_1 = arith.constant 0 : i32
    return %c0_i32, %arg0, %c0_i32_0 : i32, i32, i32
  }
  func.func @transform_7(%arg0: i32) -> (i32, i32, i32) {
    %c0_i32 = arith.constant 0 : i32
    %c0_i32_0 = arith.constant 0 : i32
    %c0_i32_1 = arith.constant 0 : i32
    return %c0_i32, %arg0, %c0_i32_0 : i32, i32, i32
  }
}

</mosaic_0001>

<sc_bundles>
// kernel: kernel.4.cloned.1.call-start
scs
__scs_entry_jumppad:
0x0: {  	(pc) =	sbr.rel $0x88, $3  }
0x1: {  	(tag) =	ssettag $0x0;
	lr =	simm.s32 $0x1  }
0x2: {  	[smem:$0x3F9A] =	sst lr;
	_ =	strace $0xD0000000  }
0x3: {  	_ = 	snop  }
0x4: {  	_ = 	snop  }
0x5: {  	_ = 	snop  }
0x6: {  	_ = 	snop  }
0x7: {  	_ = 	snop  }
__scs_overlays_trampoline_lowered:
0x8: {  	[smem:$0x3FA9] =	sst s0  }
0x9: {  	[smem:$0x3FAA] =	sst s1  }
0xa: {  	[smem:$0x3FAB] =	sst s2  }
0xb: {  	[smem:$0x3FAC] =	sst s3  }
0xc: {  	[smem:$0x3FAD] =	sst s4  }
0xd: {  	[smem:$0x3FAE] =	sst s5  }
0xe: {  	[smem:$0x3FAF] =	sst s6  }
0xf: {  	[smem:$0x3FB0] =	sst s7  }
0x10: {  	[smem:$0x3FB1] =	sst s8  }
0x11: {  	[smem:$0x3FB2] =	sst s9;
	s0 =	simm.s32 @!p0 $0x0  }
0x12: {  	s1 =	sld [smem:$0x3F98];
	s0 =	simm.s32 @p0 $0x1  }
0x13: {  	[smem:$0x3FB3] =	sst s0;
	s0 =	simm.s32 @!p1 $0x0  }
0x14: {  	s2 =	sld [smem:$0x3F97];
	s0 =	simm.s32 @p1 $0x1  }
0x15: {  	[smem:$0x3FB4] =	sst s0;
	s0 =	simm.s32 @!p2 $0x0  }
0x16: {  	s3 =	sld [smem:$0x3FDB];
	s0 =	simm.s32 @p2 $0x1  }
0x17: {  	s4 =	simm.s32 $0x1BF5;
	[smem:$0x3FB6] =	sst s0  }
0x18: {  	s0 =	sld [smem:$0x3F99];
	_ =	swait.ge [sflag:s4], $0x0  }
0x19: {  	s7 =	sld [smem:$0x3F9A]  }
0x1a: {  	s8 =	sadd.s32 $0xFFFFE003, lr  }
0x1b: {  	s9 =	sadd.s32 $0xFFFFFEF7, lr;
	s5 =	simm.s32 $0xFFFFFFFF;
	p2 =	slt.u32 s8, $0xFFFFF086  }
0x1c: {  	p1 =	slt.u32 s9, $0xF7A;
	s5 =	simm.s32 @!p2 $0x0  }
0x1d: {  	s5 =	simm.s32 @p1 $0x1;
	p0 =	seq.s32 s7, s2  }
0x1e: {  	s7 =	smul.u32 @!p0 $0xF7A, s2;
	p2 =	seq.s32 @!p0 s5, $0x0  }
0x1f: {  	s9 =	smul.u32 $0xF7A, s1;
	s8 =	simm.s32 @!p0 $0x1BF5;
	p2 =	por !p2, p0  }
0x20: {  	[sflag:s8] =	ssyncset.s32 @!p0 $0xFFFFF086;
	s6 =	sadd.s32 @!p0 s3, s7;
	s7 =	simm.s32 @!p0 $0x108  }
0x21: {  	s3 =	sadd.s32 s3, s9;
	s6 =	sadd.s32 @!p0 $0x88, s6;
	s7 =	simm.s32 @p2 $0x1082  }
0x22: {  	[simem:s7], [sflag:s8] =	dma.local @!p0 [hbm:s6], $0xF7A  }
0x23: {  	s9 =	sor.u32 $0xD0000000, s2;
	s6 =	simm.s32 $0x108;
	_ =	swait.ge @!p0 [sflag:s8], $0x0  }
0x24: {  	s3 =	sadd.s32 $0x88, s3;
	s6 =	simm.s32 @!p1 $0x1082;
	[sflag:s4] =	ssyncset.s32 $0xFFFFF086  }
0x25: {  	[simem:s6], [sflag:s4] =	dma.local [hbm:s3], $0xF7A  }
0x26: {  	[smem:$0x3F9A] =	sst s1;
	(tag) =	ssettag s2;
	_ =	strace s9  }
0x27: {  	s1 =	sld [smem:$0x3FAA]  }
0x28: {  	s2 =	sld [smem:$0x3FAB]  }
0x29: {  	s4 =	sld [smem:$0x3FAD]  }
0x2a: {  	p0 =	seq.s32 s5, $0x0;
	s5 =	sld [smem:$0x3FAE]  }
0x2b: {  	s6 =	sld [smem:$0x3FAF]  }
0x2c: {  	s7 =	sld [smem:$0x3FB0]  }
0x2d: {  	s3 =	simm.s32 $0x108;
	s8 =	sld [smem:$0x3FB1]  }
0x2e: {  	s3 =	simm.s32 @!p0 $0x1082;
	s9 =	sld [smem:$0x3FB2]  }
0x2f: {  	lr =	sadd.s32 s0, s3;
	s0 =	sld [smem:$0x3FA9]  }
0x30: {  	s3 =	sld [smem:$0x3FAC]  }
0x31: {  	[smem:$0x3FB5] =	sst s10  }
0x32: {  	s10 =	sld [smem:$0x3FB3];
	_ =	sdelay $0x3  }
0x33: {  	p0 =	seq.s32 s10, $0x1;
	s10 =	sld [smem:$0x3FB5];
	_ =	sdelay $0x3  }
0x34: {  	[smem:$0x3FB5] =	sst s10  }
0x35: {  	s10 =	sld [smem:$0x3FB4];
	_ =	sdelay $0x3  }
0x36: {  	p1 =	seq.s32 s10, $0x1;
	s10 =	sld [smem:$0x3FB5];
	_ =	sdelay $0x3  }
0x37: {  	[smem:$0x3FB5] =	sst s10  }
0x38: {  	s10 =	sld [smem:$0x3FB6]  }
0x39: {  	_ = 	snop;
	(pc) =	sbr.ind lr, $3  }
0x3a: {  	_ = 	snop  }
0x3b: {  	_ = 	snop  }
0x3c: {  	p2 =	seq.s32 s10, $0x1;
	s10 =	sld [smem:$0x3FB5]  }
0x3d: {  	_ =	shalt  }
0x3e: {  	_ =	shalt  }
0x3f: {  	_ =	shalt  }
0x40: {  	_ =	shalt  }
0x41: {  	_ =	shalt  }
0x42: {  	_ =	shalt  }
0x43: {  	_ =	shalt  }
0x44: {  	_ =	shalt  }
0x45: {  	_ =	shalt  }
0x46: {  	_ =	shalt  }
0x47: {  	_ =	shalt  }
0x48: {  	_ =	shalt  }
0x49: {  	_ =	shalt  }
0x4a: {  	_ =	shalt  }
0x4b: {  	_ =	shalt  }
0x4c: {  	_ =	shalt  }
0x4d: {  	_ =	shalt  }
0x4e: {  	_ =	shalt  }
0x4f: {  	_ =	shalt  }
0x50: {  	_ =	shalt  }
0x51: {  	_ =	shalt  }
0x52: {  	_ =	shalt  }
0x53: {  	_ =	shalt  }
0x54: {  	_ =	shalt  }
0x55: {  	_ =	shalt  }
0x56: {  	_ =	shalt  }
0x57: {  	_ =	shalt  }
0x58: {  	_ =	shalt  }
0x59: {  	_ =	shalt  }
0x5a: {  	_ =	shalt  }
0x5b: {  	_ =	shalt  }
0x5c: {  	_ =	shalt  }
0x5d: {  	_ =	shalt  }
0x5e: {  	_ =	shalt  }
0x5f: {  	_ =	shalt  }
0x60: {  	_ =	shalt  }
0x61: {  	_ =	shalt  }
0x62: {  	_ =	shalt  }
0x63: {  	_ =	shalt  }
0x64: {  	_ =	shalt  }
0x65: {  	_ =	shalt  }
0x66: {  	_ =	shalt  }
0x67: {  	_ =	shalt  }
0x68: {  	_ =	shalt  }
0x69: {  	_ =	shalt  }
0x6a: {  	_ =	shalt  }
0x6b: {  	_ =	shalt  }
0x6c: {  	_ =	shalt  }
0x6d: {  	_ =	shalt  }
0x6e: {  	_ =	shalt  }
0x6f: {  	_ =	shalt  }
0x70: {  	_ =	shalt  }
0x71: {  	_ =	shalt  }
0x72: {  	_ =	shalt  }
0x73: {  	_ =	shalt  }
0x74: {  	_ =	shalt  }
0x75: {  	_ =	shalt  }
0x76: {  	_ =	shalt  }
0x77: {  	_ =	shalt  }
0x78: {  	_ =	shalt  }
0x79: {  	_ =	shalt  }
0x7a: {  	_ =	shalt  }
0x7b: {  	_ =	shalt  }
0x7c: {  	_ =	shalt  }
0x7d: {  	_ =	shalt  }
0x7e: {  	_ =	shalt  }
0x7f: {  	_ =	shalt  }
0x80: {  	_ =	shalt  }
0x81: {  	_ =	shalt  }
0x82: {  	_ =	shalt  }
0x83: {  	_ =	shalt  }
0x84: {  	_ =	shalt  }
0x85: {  	_ =	shalt  }
0x86: {  	_ =	shalt  }
0x87: {  	_ =	shalt  }
.Lfunc_end0:
.L_simem_size_0:
called_computation_lowered:
.L_overlay_start_0:
0x88: {  	s2 =	sld [smem:$0x3FD9]  }
0x89: {  	s3 =	sld [smem:$0x3FFE];
	_ =	sdelay $0x1  }
0x8a: {  	s1 =	srdreg.scid  }
0x8b: {  	s0 =	sand.u32 $0x1, s1  }
0x8c: {  	s14 =	sshll.u32 s0, $0xA;
	s2 =	sadd.s32 s3, s2  }
0x8d: {  	s2 =	sadd.s32 s2, s14  }
0x8e: {  	[smem:$0x3FC1] =	sst s2  }
0x8f: {  	_ = 	snop  }
0x90: {  	s2 =	sld [smem:$0x3FD0];
	_ =	sdelay $0x2  }
0x91: {  	s15 =	simm.s32 $0xA;
	s4 =	simm.s32 $0x10  }
0x92: {  	[smem:s4], [sflag:s15] =	dma.local [hbm:s2], $0x1  }
0x93: {  	_ =	swait.eq [sflag:s15], $0x1  }
0x94: {  	[sflag:s15] =	ssyncset.done $0x0  }
0x95: {  	s16 =	sld [smem:$0x10];
	[sflag:s15] =	ssyncadd.s32 $0xFFFFFFFF  }
0x96: {  	s17 =	sld [smem:$0x11];
	(tm) =	ssettm $0x1  }
0x97: {  	s18 =	sld [smem:$0x3FFB];
	_ =	sdelay $0x3  }
0x98: {  	_ =	strace s18  }
0x99: {  	s4 =	sld [smem:$0x3FFC];
	_ =	sdelay $0x3  }
0x9a: {  	_ =	strace s4  }
0x9b: {  	s4 =	sld [smem:$0x3FFD];
	_ =	sdelay $0x3  }
0x9c: {  	_ =	strace s4  }
0x9d: {  	_ =	strace $0x8FFFFFFF  }
0x9e: {  	s19 =	sld [smem:$0x3FDB];
	_ =	sdelay $0x1  }
0x9f: {  	s5 =	simm.s32 $_scs_section_size  }
0xa0: {  	s6 =	simm.s32 $_size__tile_overlayer_lowered;
	s7 =	simm.s32 $_tile_overlayer_lowered  }
0xa1: {  	s22 =	simm.s32 $0x1BFF;
	s21 =	sshll.u32 s7, $0x1;
	s4 =	sadd.s32 s5, s19  }
0xa2: {  	s8 =	simm.s32 $0x0;
	s20 =	sshll.u32 s6, $0x1;
	s6 =	sadd.s32 s21, s4  }
0xa3: {  	[timem:s8], [sflag:s22] =	dma.local [hbm:s6], s20  }
0xa4: {  	_ =	swait.ge [sflag:s22], s20  }
0xa5: {  	s5 =	ssub.s32 $0x0, s20;
	[sflag:s22] =	ssyncset.done $0x0  }
0xa6: {  	[sflag:s22] =	ssyncadd.s32 s5;
	_ =	sdelay $0x1  }
0xa7: {  	s23 =	simm.s32 $0x1B8B  }
0xa8: {  	_ =	swait.ge [sflag:s23], $0x1  }
0xa9: {  	[sflag:s23] =	ssyncset.done $0x0  }
0xaa: {  	s25 =	simm.s32 $0x1B8E;
	s24 =	sld [smem:$0x3FFE];
	[sflag:s23] =	ssyncadd.s32 $0xFFFFFFFF  }
0xab: {  	s26 =	simm.s32 $execute0_lowered;
	[smem:$0x3FD2] =	sst s25  }
0xac: {  	s6 =	sshll.u32 s26, $0x1;
	_ =	strace $0x80000046;
	[dreg:$0x1] =	wrdreg $0xFFFFFFFF  }
0xad: {  	s28 =	simm.s32 $_size_execute0_lowered;
	s4 =	sadd.s32 s4, s6;
	[dreg:$0x0] =	wrdreg $0x0  }
0xae: {  	s6 =	sshll.u32 s28, $0x1;
	[dreg:$0x2] =	wrdreg s4  }
0xaf: {  	[dreg:$0x3] =	wrdreg s6  }
0xb0: {  	[dreg:$0x4] =	wrdreg $0xC0  }
0xb1: {  	_ =	task [dreg:s8], $0x5FFFF  }
0xb2: {  	[dreg:$0x1] =	wrdreg $0xFFFFFFFF  }
0xb3: {  	[dreg:$0x0] =	wrdreg $0x60  }
0xb4: {  	[dreg:$0x2] =	wrdreg s17  }
0xb5: {  	[dreg:$0x3] =	wrdreg s16  }
0xb6: {  	[dreg:$0x4] =	wrdreg s24  }
0xb7: {  	[dreg:$0x5] =	wrdreg $0xB0000  }
0xb8: {  	[dreg:$0x6] =	wrdreg $0x9  }
0xb9: {  	_ =	task.clear_ibuf [dreg:s8], $0x7FFFF;
	_ =	strace $0x90000046  }
0xba: {  	s29 =	simm.s32 $0x9;
	_ =	strace $0x80000048  }
0xbb: {  	_ =	swait.ge [sflag:s29], $0x1  }
0xbc: {  	[sflag:s29] =	ssyncadd.s32 $0xFFFFFFFF  }
0xbd: {  	_ =	strace $0x90000048  }
0xbe: {  	_ =	sfence  }
0xbf: {  	s30 =	sld [smem:$0x0];
	_ =	sdelay $0x2  }
0xc0: {  	s31 =	sshll.u32 s1, $0xD;
	s1 =	sshrl.u32 s1, $0x2  }
0xc1: {  	s3 =	sand.u32 $0x4000, s31;
	s1 =	sadd.s32 s1, s30  }
0xc2: {  	s0 =	sor.u32 s3, s0;
	s1 =	sshll.u32 s1, $0x11  }
0xc3: {  	s0 =	sor.u32 s1, s0  }
0xc4: {  	s0 =	sadd.s32 $0x8F2B, s0  }
0xc5: {  	[sflag:s0] =	ssyncadd.remote.s32 $0x1  }
0xc6: {  	_ =	sfence.sel $0xFFFF  }
0xc7: {  	[dreg:$0x0] =	wrdreg $0xFFFFFFFF;
	(pc) =	sbr.abs _section_cstart, $3  }
0xc8: {  	[dreg:$0x1] =	wrdreg $0xFFFFFFFF  }
0xc9: {  	_ =	task.clear_ibuf [dreg:s8], $0x2FFFF;
	_ =	strace $0x9FFFFFFF  }
0xca: {  	(tm) =	ssettm $0x7FFFFFFF  }
0xcb: {  	_ =	shalt  }
tec
execute0_lowered:
.L_overlay_start_1:
0x0: {  	(tag) =	ssettag $0x1  }
0x1: {  	s1 =	rddreg [dreg:$0x0]  }
0x2: {  	s2 =	rddreg [dreg:$0x1]  }
0x3: {  	s0 =	rddreg [dreg:$0x2]  }
0x4: {  	s4 =	rddreg [dreg:$0x3]  }
0x5: {  	s3 =	srdreg.scid;
	s8 =	stileid.u32  }
0x6: {  	s13 =	simm.s32 $0x0;
	s28 =	simm.s32 $0x5;
	s29 =	simm.s32 $0x400  }
0x7: {  	s30 =	simm.s32 $0x32;
	s31 =	simm.s32 $0x2400;
	s5 =	smul.u32 $0x4E000, s8  }
0x8: {  	s10 =	simm.s32 $0x9400;
	s3 =	sand.u32 $0x1, s3;
	[smem:$0x7FF] =	sst s13  }
0x9: {  	s20 =	smul.u32 $0x13800, s8;
	p0 =	sne.s32 s8, $0xF;
	s5 =	sshrl.u32 s5, $0x2  }
0xa: {  	s6 =	smul.u32 $0x27100, s3;
	_ =	strace $0x80000047;
	s14 =	sadd.s32 s5, s4  }
0xb: {  	v0 =	vimm.s32 $0xFEDCBA98;
	v1 =	vimm.s32 $0x76543210;
	s7 =	ssub.s32 $0x2, s3;
	s9 =	sadd.s32 $0x1900, s14;
	[dreg:$0x6] =	wrdreg s14  }
0xc: {  	v2 =	vimm.s32 $0xBA98FEDC;
	s3 =	smul.u32 $0x138800, s3;
	s12 =	sadd.s32 $0x3200, s14;
	[dreg:$0x7] =	wrdreg s9  }
0xd: {  	vm0 =	vmmov $0xff;
	v4 =	vimm.s32 $0xDCFE98BA;
	v5 =	vimm.s32 $0x54761032;
	s11 =	sshrl.u32 s7, $0x1;
	s15 =	sadd.s32 $0x4B00, s14;
	[dreg:$0x8] =	wrdreg s12  }
0xe: {  	vm1 =	vcmask $0x2F20;
	vm2 =	vcmask $0xF00;
	vm3 =	vcmask $0x700;
	s6 =	sadd.s32 s6, s0;
	s16 =	sadd.s32 $0x6400, s14;
	[dreg:$0x9] =	wrdreg s15  }
0xf: {  	v6 =	vimm.s32 $0xEFCDAB89;
	v7 =	vimm.s32 $0x67452301;
	v0 =	vunpack.c.l.s4.s8 v0;
	s0 =	sadd.s32 $0x9D800, s0;
	s17 =	sadd.s32 $0x7D00, s14;
	[dreg:$0xa] =	wrdreg s16  }
0x10: {  	v8 =	vimm.s32 $0xC;
	v9 =	vimm.s32 $0x2;
	v1 =	vunpack.c.l.s4.s8 v1;
	s5 =	ssub.s32 s7, s11;
	s18 =	sadd.s32 $0x9600, s14;
	[dreg:$0xb] =	wrdreg s17  }
0x11: {  	v10 =	vimm.s32 $0xA;
	v11 =	vimm.s32 $0x6;
	v0 =	vunpack.c.0.s8.s32 v0;
	s7 =	sadd.s32 s20, s3;
	s19 =	sadd.s32 $0xAF00, s14;
	[dreg:$0xc] =	wrdreg s18  }
0x12: {  	v12 =	vimm.s32 $0xE;
	v2 =	vunpack.c.l.s4.s8 v2;
	v1 =	vunpack.c.0.s8.s32 v1;
	s3 =	sshrl.u32 s3, $0x3;
	s21 =	sadd.s32 $0xC800, s14;
	[dreg:$0xd] =	wrdreg s19  }
0x13: {  	v4 =	vunpack.c.l.s4.s8 v4;
	v5 =	vunpack.c.l.s4.s8 v5;
	s20 =	smul.u32 $0x32, s8;
	v3 =	vand.u32 $0xF, v0;
	s22 =	sadd.s32 $0xE100, s14;
	[dreg:$0xe] =	wrdreg s21  }
0x14: {  	vm1 =	vmor vm2, vm1;
	s8 =	simm.s32 $0x1;
	s23 =	sadd.s32 $0xFA00, s14;
	v1 =	vcombine.low v3, v1;
	v3 =	vimm.s32 $0x32107654;
	[dreg:$0xf] =	wrdreg s22  }
0x15: {  	vm2 =	vcmask $0x1710;
	v6 =	vunpack.c.l.s4.s8 v6;
	s11 =	simm.s32 $0x3;
	s24 =	sadd.s32 $0x11300, s14;
	[dreg:$0x10] =	wrdreg s23;
	v3 =	vunpack.c.l.s4.s8 v3  }
0x16: {  	v7 =	vunpack.c.l.s4.s8 v7;
	vm2 =	vmor vm3, vm2;
	vm3 =	vcmask $0x2720;
	s25 =	sadd.s32 $0x12C00, s14;
	s7 =	sshrl.u32 s7, $0x3;
	[dreg:$0x11] =	wrdreg s24  }
0x17: {  	v2 =	vunpack.c.0.s8.s32 v2;
	v4 =	vunpack.c.0.s8.s32 v4;
	s26 =	smax.u32 s5, $0x1;
	[dreg:$0x12] =	wrdreg s25;
	s15 =	sadd.s32 $0x138000, s4;
	v3 =	vunpack.c.0.s8.s32 v3  }
0x18: {  	v5 =	vunpack.c.0.s8.s32 v5;
	vm2 =	vmor vm2, vm3;
	vm3 =	vcmask $0x3730;
	s7 =	sadd.s32 s0, s7;
	s0 =	sadd.s32 s0, s3;
	s22 =	sadd.s32 $0x1400, s6  }
0x19: {  	vm2 =	vmor vm2, vm3;
	v0 =	vimm.f32 $0.0e+00;
	s23 =	sadd.s32 $0x4F600, s6;
	[dreg:$0x16] =	wrdreg s26;
	s26 =	simm.s32 $0x7800;
	v2 =	vcombine.low v3, v2  }
0x1a: {  	s3 =	simm.s32 $0x5C00;
	s9 =	simm.s32 $0x2;
	[dreg:$0x14] =	wrdreg s7;
	v3 =	vcombine.low v5, v4;
	v4 =	vunpack.c.0.s8.s32 v6;
	v5 =	vunpack.c.0.s8.s32 v7  }
0x1b: {  	s12 =	simm.s32 $0x4;
	s0 =	sadd.s32 $0x27000, s0;
	[dreg:$0x13] =	wrdreg s15;
	v6 =	vimm.s32 $0x8;
	v7 =	vimm.s32 $0x4;
	v2 =	vand.u32 $0xF, v2  }
0x1c: {  	s7 =	simm.s32 $0x4000;
	[dreg:$0x15] =	wrdreg s0;
	s0 =	simm.s32 $0x800;
	v3 =	vand.u32 $0xF, v3;
	v4 =	vcombine.low v5, v4;
	v5 =	vimm.s32 $0x0  }
.LBB2_1:
0x1d: {  	[dreg:$0x5] =	wrdreg s13;
	s5 =	simm.s32 $0x0;
	s6 =	simm.s32 $0x200  }
.LBB2_2:
0x1e: {  	p1 =	sne.s32 s6, $0x6200;
	[tilespmem:s5+$0x7870] =	vst v0  }
0x1f: {  	[tilespmem:s5+$0x7800] =	vst v0  }
0x20: {  	[tilespmem:s5+$0x7810] =	vst v0  }
.Ltmp0:
0x21: {  	[tilespmem:s5+$0x7820] =	vst v0;
	(pc) =	sbr.rel @p1 .LBB2_2-.Ltmp0, $4  }
0x22: {  	[tilespmem:s5+$0x7830] =	vst v0  }
0x23: {  	[tilespmem:s5+$0x7840] =	vst v0  }
0x24: {  	[tilespmem:s5+$0x7850] =	vst v0  }
0x25: {  	[tilespmem:s5+$0x7860] =	vst v0;
	s5 =	sshra.s32 s6, $0x2;
	s6 =	sadd.s32 $0x200, s6  }
0x26: {  	[tilespmem:s5+$0x7870] =	vst v0  }
0x27: {  	[tilespmem:s5+$0x7800] =	vst v0  }
0x28: {  	[tilespmem:s5+$0x7810] =	vst v0  }
0x29: {  	[tilespmem:s5+$0x7820] =	vst v0  }
0x2a: {  	[tilespmem:s5+$0x7830] =	vst v0  }
0x2b: {  	[tilespmem:s5+$0x7840] =	vst v0  }
0x2c: {  	[tilespmem:s5+$0x7850] =	vst v0  }
0x2d: {  	[tilespmem:s5+$0x7860] =	vst v0  }
0x2e: {  	[spmem:s14] =	stream.linear.scatter [tilespmem:s26], [sflag:$0x5], $0x1900, $0x38;
	[tilespmem:$0x1E880] =	vst v63  }
0x2f: {  	_ =	swait.ge [sflag:s28], $0x1900  }
0x30: {  	[sflag:s28] =	ssyncset.done $0x0  }
0x31: {  	s24 =	rddreg [dreg:$0x7];
	[sflag:s28] =	ssyncadd.s32 $0xFFFFE700  }
0x32: {  	[spmem:s24] =	stream.linear.scatter [tilespmem:s26], [sflag:$0x5], $0x1900, $0x38;
	[tilespmem:$0x1E880] =	vst v63  }
0x33: {  	_ =	swait.ge [sflag:s28], $0x1900  }
0x34: {  	[sflag:s28] =	ssyncset.done $0x0  }
0x35: {  	s25 =	rddreg [dreg:$0x8];
	[sflag:s28] =	ssyncadd.s32 $0xFFFFE700  }
0x36: {  	[spmem:s25] =	stream.linear.scatter [tilespmem:s26], [sflag:$0x5], $0x1900, $0x38;
	[tilespmem:$0x1E880] =	vst v63  }
0x37: {  	_ =	swait.ge [sflag:s28], $0x1900  }
0x38: {  	[sflag:s28] =	ssyncset.done $0x0  }
0x39: {  	s6 =	rddreg [dreg:$0x9];
	[sflag:s28] =	ssyncadd.s32 $0xFFFFE700  }
0x3a: {  	[spmem:s6] =	stream.linear.scatter [tilespmem:s26], [sflag:$0x5], $0x1900, $0x38;
	[tilespmem:$0x1E880] =	vst v63  }
0x3b: {  	_ =	swait.ge [sflag:s28], $0x1900  }
0x3c: {  	[sflag:s28] =	ssyncset.done $0x0  }
0x3d: {  	s13 =	rddreg [dreg:$0xa];
	[sflag:s28] =	ssyncadd.s32 $0xFFFFE700  }
0x3e: {  	[spmem:s13] =	stream.linear.scatter [tilespmem:s26], [sflag:$0x5], $0x1900, $0x38;
	[tilespmem:$0x1E880] =	vst v63  }
0x3f: {  	_ =	swait.ge [sflag:s28], $0x1900  }
0x40: {  	[sflag:s28] =	ssyncset.done $0x0  }
0x41: {  	s14 =	rddreg [dreg:$0xb];
	[sflag:s28] =	ssyncadd.s32 $0xFFFFE700  }
0x42: {  	[spmem:s14] =	stream.linear.scatter [tilespmem:s26], [sflag:$0x5], $0x1900, $0x38;
	[tilespmem:$0x1E880] =	vst v63  }
0x43: {  	_ =	swait.ge [sflag:s28], $0x1900  }
0x44: {  	[sflag:s28] =	ssyncset.done $0x0  }
0x45: {  	s16 =	rddreg [dreg:$0xc];
	[sflag:s28] =	ssyncadd.s32 $0xFFFFE700  }
0x46: {  	[spmem:s16] =	stream.linear.scatter [tilespmem:s26], [sflag:$0x5], $0x1900, $0x38;
	[tilespmem:$0x1E880] =	vst v63  }
0x47: {  	_ =	swait.ge [sflag:s28], $0x1900  }
0x48: {  	[sflag:s28] =	ssyncset.done $0x0  }
0x49: {  	s17 =	rddreg [dreg:$0xd];
	[sflag:s28] =	ssyncadd.s32 $0xFFFFE700  }
0x4a: {  	[spmem:s17] =	stream.linear.scatter [tilespmem:s26], [sflag:$0x5], $0x1900, $0x38;
	[tilespmem:$0x1E880] =	vst v63  }
0x4b: {  	_ =	swait.ge [sflag:s28], $0x1900  }
0x4c: {  	[sflag:s28] =	ssyncset.done $0x0  }
0x4d: {  	s18 =	rddreg [dreg:$0xe];
	[sflag:s28] =	ssyncadd.s32 $0xFFFFE700  }
0x4e: {  	[spmem:s18] =	stream.linear.scatter [tilespmem:s26], [sflag:$0x5], $0x1900, $0x38;
	[tilespmem:$0x1E880] =	vst v63  }
0x4f: {  	_ =	swait.ge [sflag:s28], $0x1900  }
0x50: {  	[sflag:s28] =	ssyncset.done $0x0  }
0x51: {  	s19 =	rddreg [dreg:$0xf];
	[sflag:s28] =	ssyncadd.s32 $0xFFFFE700  }
0x52: {  	[spmem:s19] =	stream.linear.scatter [tilespmem:s26], [sflag:$0x5], $0x1900, $0x38;
	[tilespmem:$0x1E880] =	vst v63  }
0x53: {  	_ =	swait.ge [sflag:s28], $0x1900  }
0x54: {  	[sflag:s28] =	ssyncset.done $0x0  }
0x55: {  	s21 =	rddreg [dreg:$0x10];
	[sflag:s28] =	ssyncadd.s32 $0xFFFFE700  }
0x56: {  	[spmem:s21] =	stream.linear.scatter [tilespmem:s26], [sflag:$0x5], $0x1900, $0x38;
	[tilespmem:$0x1E880] =	vst v63  }
0x57: {  	_ =	swait.ge [sflag:s28], $0x1900  }
0x58: {  	[sflag:s28] =	ssyncset.done $0x0  }
0x59: {  	s24 =	rddreg [dreg:$0x11];
	[sflag:s28] =	ssyncadd.s32 $0xFFFFE700  }
0x5a: {  	[spmem:s24] =	stream.linear.scatter [tilespmem:s26], [sflag:$0x5], $0x1900, $0x38;
	[tilespmem:$0x1E880] =	vst v63  }
0x5b: {  	_ =	swait.ge [sflag:s28], $0x1900  }
0x5c: {  	[sflag:s28] =	ssyncset.done $0x0  }
0x5d: {  	s25 =	rddreg [dreg:$0x12];
	[sflag:s28] =	ssyncadd.s32 $0xFFFFE700  }
0x5e: {  	[spmem:s25] =	stream.linear.scatter [tilespmem:s26], [sflag:$0x5], $0xC00, $0x38;
	[tilespmem:$0x1E880] =	vst v63  }
0x5f: {  	_ =	swait.ge [sflag:s28], $0xC00  }
0x60: {  	[sflag:s28] =	ssyncset.done $0x0  }
0x61: {  	s5 =	simm.s32 @!p0 $0x7800;
	[sflag:s28] =	ssyncadd.s32 $0xFFFFF400  }
0x62: {  	[spmem:s15] =	stream.linear.scatter @!p0 [tilespmem:s5], [sflag:$0x5], $0x800, $0x38;
	[tilespmem:$0x1E880] =	vst v63  }
0x63: {  	s5 =	simm.s32 @!p0 $0x5  }
0x64: {  	_ =	swait.ge @!p0 [sflag:s5], $0x800  }
0x65: {  	[sflag:s5] =	ssyncset.done @!p0 $0x0  }
0x66: {  	[sflag:s5] =	ssyncadd.s32 @!p0 $0xFFFFF800  }
0x67: {  	s13 =	simm.s32 $0x0;
	s14 =	simm.s32 $0x0;
	[bflag:$0x0] =	sbarrier.arrive $0xFFFF  }
.LBB2_4:
0x68: {  	s5 =	sadd.s32 s20, s14  }
0x69: {  	s5 =	sshll.u32 s5, $0x7  }
0x6a: {  	s6 =	sadd.s32 s1, s5  }
0x6b: {  	[tilespmem:s13], [sflag:$0x5] =	stream.linear.gather [hbm4b:s6+s13], $0x400, $0x38;
	[tilespmem:$0x1E880] =	vst v63  }
0x6c: {  	_ =	swait.ge [sflag:s28], $0x400  }
0x6d: {  	[sflag:s28] =	ssyncset.done $0x0  }
0x6e: {  	s5 =	sadd.s32 s2, s5;
	[sflag:s28] =	ssyncadd.s32 $0xFFFFFC00  }
0x6f: {  	[tilespmem:s29], [sflag:$0x5] =	stream.linear.gather [hbm4b:s5+s13], $0x400, $0x38;
	[tilespmem:$0x1E880] =	vst v63  }
0x70: {  	_ =	swait.ge [sflag:s28], $0x400  }
0x71: {  	[sflag:s28] =	ssyncset.done $0x0  }
0x72: {  	[sflag:s28] =	ssyncadd.s32 $0xFFFFFC00  }
0x73: {  	[tilespmem:s31], [sflag:$0x1] =	stream.indirect.gather [hbm4b:s22+s30], $0x80, s13, s30, $0xb8;
	[tilespmem:$0x1E880] =	vst v63  }
0x74: {  	s15 =	simm.s32 $0x0  }
0x75: {  	[tilespmem:s0], [sflag:$0x1] =	stream.indirect.gather [hbm4b:s23+s30], $0x80, s29, s30, $0xb8;
	[tilespmem:$0x1E880] =	vst v63  }
.LBB2_5:
0x76: {  	s17 =	sshll.u32 s15, $0x8  }
0x77: {  	s5 =	sor.u32 $0x80, s17  }
0x78: {  	[tilespmem:s3], [sflag:$0x2] =	stream.indirect.gather [hbm4b:s22+s30], $0x80, s5, s30, $0xb8;
	[tilespmem:$0x1E880] =	vst v63  }
0x79: {  	s16 =	sadd.s32 $0x480, s17  }
0x7a: {  	[tilespmem:s7], [sflag:$0x2] =	stream.indirect.gather [hbm4b:s23+s30], $0x80, s16, s30, $0xb8;
	[tilespmem:$0x1E880] =	vst v63  }
0x7b: {  	_ =	swait.ge [sflag:s8], $0x1900  }
0x7c: {  	[sflag:s8] =	ssyncset.done $0x0  }
0x7d: {  	[sflag:s8] =	ssyncadd.s32 $0xFFFFE700  }
0x7e: {  	_ =	swait.ge [sflag:s8], $0x1900  }
0x7f: {  	p1 =	seq.s32 s15, $0x0;
	[sflag:s8] =	ssyncset.done $0x0  }
0x80: {  	s5 =	simm.s32 @!p1 $0x3;
	[sflag:s8] =	ssyncadd.s32 $0xFFFFE700  }
0x81: {  	_ =	swait.ge @!p1 [sflag:s5], $0x1900  }
0x82: {  	[sflag:s5] =	ssyncset.done @!p1 $0x0  }
0x83: {  	s25 =	simm.s32 $0x0;
	[sflag:s5] =	ssyncadd.s32 @!p1 $0xFFFFE700  }
0x84: {  	v13 =	vld [tilespmem:s25+$0x840]  }
0x85: {  	v14 =	vld [tilespmem:s25+$0x810]  }
0x86: {  	v15 =	vld [tilespmem:s25+$0x860]  }
0x87: {  	v16 =	vld [tilespmem:s25+$0x850]  }
0x88: {  	v17 =	vld [tilespmem:s25+$0x830]  }
0x89: {  	v18 =	vld [tilespmem:s25+$0x870]  }
0x8a: {  	v19 =	vld [tilespmem:s25+$0x800]  }
0x8b: {  	v20 =	vld [tilespmem:s25+$0x2410]  }
0x8c: {  	v21 =	vld [tilespmem:s25+$0x2400]  }
0x8d: {  	v22 =	vld [tilespmem:s25+$0x2430]  }
0x8e: {  	v23 =	vld [tilespmem:s25+$0x2420]  }
0x8f: {  	v24 =	vld [tilespmem:s25+$0x820]  }
0x90: {  	s18 =	simm.s32 $0x80  }
0x91: {  	v26 =	vld [tilespmem:s18+$0x860];
	v14 =	vmul.f32 v14, v20;
	v16 =	vmul.f32 v16, v20  }
0x92: {  	v28 =	vld [tilespmem:s18+$0x850];
	v19 =	vmul.f32 v19, v21;
	v13 =	vmul.f32 v13, v21  }
0x93: {  	v31 =	vld [tilespmem:s18+$0x2410];
	v18 =	vmul.f32 v18, v22;
	v15 =	vmul.f32 v15, v23  }
0x94: {  	v20 =	vld [tilespmem:s18+$0x840];
	v23 =	vmul.f32 v24, v23;
	v17 =	vmul.f32 v17, v22  }
0x95: {  	v21 =	vld [tilespmem:s18+$0x810];
	v25 =	vperm.xlane v14, v1;
	v29 =	vperm.xlane v16, v1  }
0x96: {  	v24 =	vld [tilespmem:s18+$0x870];
	v27 =	vperm.xlane v19, v1;
	v22 =	vperm.xlane v13, v1  }
0x97: {  	v30 =	vperm.xlane v15, v1;
	v14 =	vadd.f32 v25, v14;
	v25 =	vld [tilespmem:s18+$0x800];
	v16 =	vadd.f32 v29, v16  }
0x98: {  	v29 =	vperm.xlane v23, v1;
	v19 =	vadd.f32 v27, v19;
	v13 =	vadd.f32 v22, v13;
	v22 =	vld [tilespmem:s18+$0x2400]  }
0x99: {  	v27 =	vperm.xlane v18, v1;
	v15 =	vadd.f32 v30, v15;
	v30 =	vld [tilespmem:s18+$0x2420];
	v14 =	vsel vm0, v14, v16  }
0x9a: {  	v16 =	vadd.f32 v29, v23;
	v23 =	vld [tilespmem:s18+$0x2430];
	v13 =	vsel vm0, v19, v13;
	v19 =	vperm.xlane v14, v2  }
0x9b: {  	v21 =	vmul.f32 v21, v31;
	v18 =	vadd.f32 v27, v18;
	v27 =	vperm.xlane v13, v2  }
0x9c: {  	v29 =	vperm.xlane v17, v1;
	v15 =	vsel vm0, v16, v15;
	v14 =	vadd.f32 v19, v14  }
0x9d: {  	v16 =	vld [tilespmem:s18+$0x820];
	v19 =	vperm.xlane v15, v2;
	v13 =	vadd.f32 v27, v13;
	v27 =	vmul.f32 v28, v31  }
0x9e: {  	v32 =	vld [tilespmem:s18+$0x830];
	v25 =	vmul.f32 v25, v22;
	v20 =	vmul.f32 v20, v22  }
0x9f: {  	s21 =	simm.s32 $0x100;
	v26 =	vmul.f32 v26, v30;
	v22 =	vmul.f32 v24, v23;
	v13 =	vsel vm1, v13, v14  }
0xa0: {  	v34 =	vld [tilespmem:s21+$0x800];
	v14 =	vperm.xlane v21, v1;
	v15 =	vadd.f32 v19, v15;
	v19 =	vperm.xlane v27, v1  }
0xa1: {  	v17 =	vadd.f32 v29, v17;
	v29 =	vld [tilespmem:s21+$0x850];
	v31 =	vperm.xlane v20, v1;
	v33 =	vperm.xlane v26, v1  }
0xa2: {  	v28 =	vld [tilespmem:s21+$0x810];
	v16 =	vmul.f32 v16, v30;
	v30 =	vperm.xlane v25, v1  }
0xa3: {  	v24 =	vld [tilespmem:s21+$0x840];
	v23 =	vmul.f32 v32, v23;
	v14 =	vadd.f32 v14, v21;
	v19 =	vadd.f32 v19, v27  }
0xa4: {  	v21 =	vld [tilespmem:s21+$0x870];
	v20 =	vadd.f32 v31, v20;
	v27 =	vperm.xlane v16, v1;
	v25 =	vadd.f32 v30, v25  }
0xa5: {  	v58 =	vperm.xlane v13, v3;
	v26 =	vadd.f32 v33, v26;
	v32 =	vperm.xlane v23, v1;
	v30 =	vld [tilespmem:s21+$0x2410]  }
0xa6: {  	v14 =	vsel vm0, v14, v19;
	v19 =	vld [tilespmem:s21+$0x2400];
	v16 =	vadd.f32 v27, v16;
	v20 =	vsel vm0, v25, v20  }
0xa7: {  	v31 =	vld [tilespmem:s21+$0x2430];
	v25 =	vperm.xlane v14, v2;
	v35 =	vperm.xlane v20, v2  }
0xa8: {  	v57 =	vld [tilespmem:s21+$0x860];
	v32 =	vadd.f32 v32, v23;
	v27 =	vperm.xlane v22, v1;
	v16 =	vsel vm0, v16, v26  }
0xa9: {  	v14 =	vadd.f32 v25, v14;
	v26 =	vld [tilespmem:s21+$0x2420];
	v25 =	vperm.xlane v16, v2;
	v20 =	vadd.f32 v35, v20  }
0xaa: {  	v22 =	vadd.f32 v27, v22;
	v27 =	vld [tilespmem:s21+$0x830];
	v28 =	vmul.f32 v28, v30;
	v23 =	vmul.f32 v29, v30  }
0xab: {  	s24 =	simm.s32 $0x180;
	v29 =	vmul.f32 v34, v19;
	v30 =	vld [tilespmem:s21+$0x820];
	v19 =	vmul.f32 v24, v19;
	v14 =	vsel vm1, v20, v14  }
0xac: {  	v60 =	vld [tilespmem:s24+$0x810];
	v20 =	vmul.f32 v21, v31;
	v24 =	vadd.f32 v25, v16;
	v16 =	vperm.xlane v28, v1  }
0xad: {  	v63 =	vld [tilespmem:s24+$0x800];
	v21 =	vperm.xlane v29, v1;
	v59 =	vperm.xlane v19, v1  }
0xae: {  	s19 =	simm.s32 $0x200;
	v38 =	vld [tilespmem:s24+$0x2400];
	v17 =	vsel vm0, v17, v18;
	v44 =	vperm.xlane v14, v3;
	v33 =	vmul.f32 v57, v26  }
0xaf: {  	v41 =	vld [tilespmem:s19+$0x2430];
	v27 =	vmul.f32 v27, v31;
	v21 =	vadd.f32 v21, v29;
	v29 =	vperm.xlane v23, v1  }
0xb0: {  	v56 =	vld [tilespmem:s19+$0x830];
	v19 =	vadd.f32 v59, v19;
	v36 =	vperm.xlane v20, v1;
	v26 =	vmul.f32 v30, v26  }
0xb1: {  	v25 =	vld [tilespmem:s24+$0x840];
	v16 =	vadd.f32 v16, v28;
	v61 =	vperm.xlane v33, v1;
	v23 =	vadd.f32 v29, v23  }
0xb2: {  	v18 =	vsel vm0, v21, v19;
	v19 =	vld [tilespmem:s24+$0x2410];
	v21 =	vperm.xlane v17, v2;
	v62 =	vperm.xlane v26, v1  }
0xb3: {  	v28 =	vld [tilespmem:s24+$0x870];
	v37 =	vperm.xlane v18, v2;
	v29 =	vadd.f32 v61, v33;
	v16 =	vsel vm0, v16, v23  }
0xb4: {  	v30 =	vld [tilespmem:s24+$0x850];
	v17 =	vadd.f32 v21, v17;
	v26 =	vadd.f32 v62, v26;
	v42 =	vperm.xlane v16, v2  }
0xb5: {  	v39 =	vperm.xlane v27, v1;
	v23 =	vadd.f32 v36, v20;
	v20 =	vld [tilespmem:s24+$0x2430];
	v18 =	vadd.f32 v37, v18  }
0xb6: {  	v15 =	vsel vm1, v15, v17;
	v21 =	vsel vm0, v26, v29;
	v16 =	vadd.f32 v42, v16  }
0xb7: {  	v31 =	vld [tilespmem:s24+$0x860];
	v26 =	vadd.f32 v39, v27;
	v27 =	vmul.f32 v60, v19;
	v45 =	vperm.xlane v15, v3  }
0xb8: {  	v13 =	vadd.f32 v58, v13;
	v17 =	vld [tilespmem:s24+$0x830];
	v60 =	vmul.f32 v56, v41;
	v43 =	vperm.xlane v21, v2  }
0xb9: {  	v29 =	vld [tilespmem:s24+$0x2420];
	v37 =	vsel vm1, v18, v16;
	v16 =	vmul.f32 v30, v19;
	v18 =	vmul.f32 v63, v38  }
0xba: {  	v46 =	vld [tilespmem:s24+$0x820];
	v30 =	vmul.f32 v25, v38;
	v28 =	vmul.f32 v28, v20;
	v15 =	vadd.f32 v45, v15  }
0xbb: {  	v63 =	vperm.xlane v60, v1;
	v19 =	vadd.f32 v43, v21;
	v21 =	vperm.xlane v27, v1  }
0xbc: {  	v25 =	vadd.f32 v44, v14;
	v47 =	vperm.xlane v18, v1;
	v48 =	vperm.xlane v30, v1  }
0xbd: {  	v13 =	vsel vm2, v13, v15;
	v14 =	vmul.f32 v17, v20;
	v20 =	vperm.xlane v16, v1  }
0xbe: {  	v55 =	vld [tilespmem:s19+$0x2400];
	v31 =	vmul.f32 v31, v29;
	v17 =	vperm.xlane v13, v4;
	v21 =	vadd.f32 v21, v27  }
0xbf: {  	v15 =	vld [tilespmem:s19+$0x840];
	v29 =	vmul.f32 v46, v29;
	v18 =	vadd.f32 v47, v18;
	v30 =	vadd.f32 v48, v30  }
0xc0: {  	v49 =	vld [tilespmem:s19+$0x810];
	v16 =	vadd.f32 v20, v16;
	v54 =	vperm.xlane v14, v1;
	v13 =	vadd.f32 v13, v17  }
0xc1: {  	v51 =	vld [tilespmem:s19+$0x860];
	v50 =	vperm.xlane v31, v1;
	v17 =	vperm.xlane v28, v1  }
0xc2: {  	v52 =	vld [tilespmem:s19+$0x870];
	v30 =	vsel vm0, v18, v30;
	v16 =	vsel vm0, v21, v16;
	v13 =	vmax.f32 v13, $-5.000000000e+00  }
0xc3: {  	v53 =	vld [tilespmem:s19+$0x800];
	v27 =	vadd.f32 v50, v31;
	v31 =	vperm.xlane v29, v1;
	v13 =	vmin.f32 v13, $5.000000000e+00  }
0xc4: {  	v18 =	vadd.f32 v17, v28;
	v28 =	vld [tilespmem:s19+$0x2420];
	v57 =	vmul.f32 v15, v55;
	v13 =	vmul.f32 $1.442695020e+00, v13  }
0xc5: {  	v17 =	vperm.xlane v30, v2;
	v21 =	vadd.f32 v31, v29;
	v29 =	vperm.xlane v16, v2;
	v31 =	vld [tilespmem:s19+$0x2410]  }
0xc6: {  	v22 =	vsel vm0, v32, v22;
	v20 =	vld [tilespmem:s19+$0x850];
	v61 =	vperm.xlane v57, v1;
	(erf) = vpow2.f32 v13  }
0xc7: {  	v40 =	vsel vm0, v21, v27;
	v16 =	vadd.f32 v29, v16;
	v13 =	vadd.f32 v17, v30  }
0xc8: {  	v21 =	vadd.f32 v54, v14;
	v14 =	vperm.xlane v37, v3;
	v30 =	vperm.xlane v22, v2  }
0xc9: {  	v34 =	vld [tilespmem:s25+$0x2460];
	v17 =	vperm.xlane v40, v2;
	v32 =	vmul.f32 v51, v28;
	v16 =	vsel vm1, v13, v16  }
0xca: {  	v39 =	vld [tilespmem:s25+$0x2450];
	v13 =	vadd.f32 v30, v22;
	v22 =	vmul.f32 v52, v41;
	v42 =	vmul.f32 v49, v31  }
0xcb: {  	v15 =	vld [tilespmem:s21+$0x2440];
	v33 =	vadd.f32 v61, v57;
	v29 =	vmul.f32 v20, v31;
	v31 =	vmul.f32 v53, v55  }
0xcc: {  	v27 =	vld [tilespmem:s25+$0x2440];
	v30 =	vadd.f32 v14, v37;
	v62 =	vsel vm1, v24, v13;
	v24 =	vperm.xlane v22, v1  }
0xcd: {  	v14 =	vld [tilespmem:s24+$0x2440];
	v20 =	vadd.f32 v17, v40;
	v38 =	vperm.xlane v32, v1;
	v59 =	vperm.xlane v31, v1  }
0xce: {  	v17 =	vld [tilespmem:s18+$0x2440];
	v58 =	vperm.xlane v42, v1;
	v37 =	vperm.xlane v29, v1;
	v22 =	vadd.f32 v24, v22  }
0xcf: {  	v40 =	vld [tilespmem:s19+$0x820];
	v44 =	vperm.xlane v62, v3;
	v24 =	vadd.f32 v63, v60;
	v31 =	vadd.f32 v59, v31;
	v43 =	vpop (erf)  }
0xd0: {  	v13 =	vld [tilespmem:s19+$0x2440];
	v36 =	vadd.f32 v58, v42;
	v42 =	vperm.xlane v43, v5;
	v35 =	vperm.xlane v43, v6  }
0xd1: {  	s6 =	simm.s32 $0xA00;
	v46 =	vadd.f32 v44, v62;
	v44 =	vld [tilespmem:s25+$0x2470];
	v45 =	vperm.xlane v43, v7;
	v41 =	vperm.xlane v43, v8  }
.LBB2_6:
0xd2: {  	s5 =	sshra.s32 s6, $0x2;
	p2 =	sne.s32 s6, $0x6200;
	s6 =	sadd.s32 $0x200, s6;
	v32 =	vadd.f32 v38, v32;
	v38 =	vperm.xlane v43, v9;
	v47 =	vperm.xlane v43, v10  }
0xd3: {  	v49 =	vperm.xlane v43, v11;
	v43 =	vperm.xlane v43, v12;
	v48 =	vld [tilespmem:s5+$0x840];
	v46 =	vsel vm2, v25, v46;
	v25 =	vmovc v30  }
0xd4: {  	v30 =	vsel vm0, v31, v33;
	v50 =	vld [tilespmem:s5+$0x810];
	v28 =	vmul.f32 v40, v28;
	v31 =	vperm.xlane v46, v4  }
0xd5: {  	v29 =	vadd.f32 v37, v29;
	v38 =	vmul.f32 v38, v34;
	v33 =	vld [tilespmem:s5+$0x860];
	v37 =	vmul.f32 v45, v39  }
0xd6: {  	v40 =	vld [tilespmem:s5+$0x850];
	v45 =	vperm.xlane v28, v1;
	v31 =	vadd.f32 v46, v31;
	v43 =	vmul.f32 v43, v44  }
0xd7: {  	v29 =	vsel vm0, v36, v29;
	v36 =	vmul.f32 v42, v27;
	v46 =	vld [tilespmem:s5+$0x830];
	[tilespmem:s25+$0x7820] =	vst v38;
	v38 =	vmul.f32 v49, v44  }
0xd8: {  	v44 =	vperm.xlane v29, v2;
	v42 =	vld [tilespmem:s5+$0x870];
	v28 =	vadd.f32 v45, v28;
	v31 =	vmax.f32 v31, $-5.000000000e+00;
	[tilespmem:s25+$0x7870] =	vst v43  }
0xd9: {  	v45 =	vperm.xlane v30, v2;
	v43 =	vld [tilespmem:s5+$0x800];
	v31 =	vmin.f32 v31, $5.000000000e+00;
	[tilespmem:s25+$0x7800] =	vst v36;
	v36 =	vmul.f32 v41, v39  }
0xda: {  	v29 =	vadd.f32 v44, v29;
	v39 =	vld [tilespmem:s5+$0x2410];
	v32 =	vsel vm0, v28, v32;
	v28 =	vmul.f32 $1.442695020e+00, v31;
	[tilespmem:s25+$0x7810] =	vst v37  }
0xdb: {  	v34 =	vmul.f32 v47, v34;
	v30 =	vadd.f32 v45, v30;
	v31 =	vld [tilespmem:s5+$0x2400];
	v37 =	vperm.xlane v32, v2;
	[tilespmem:s25+$0x7850] =	vst v36  }
0xdc: {  	v41 =	vperm.xlane v16, v3;
	v36 =	vld [tilespmem:s5+$0x2430];
	(erf) = vpow2.f32 v28;
	[tilespmem:s25+$0x7830] =	vst v38  }
0xdd: {  	v23 =	vsel vm0, v26, v23;
	v29 =	vsel vm1, v30, v29;
	v28 =	vld [tilespmem:s5+$0x2420];
	v38 =	vadd.f32 v37, v32;
	[tilespmem:s25+$0x7860] =	vst v34  }
0xde: {  	v26 =	vperm.xlane v23, v2;
	v30 =	vadd.f32 v41, v16;
	v32 =	vmul.f32 v35, v27;
	v16 =	vmovc v29;
	v44 =	vld [tilespmem:s5+$0x2440]  }
0xdf: {  	v27 =	vmovc v17;
	v17 =	vmovc v15;
	v15 =	vmov v14;
	v34 =	vmul.f32 v50, v39;
	v29 =	vmul.f32 v40, v39  }
0xe0: {  	v35 =	vmul.f32 v43, v31;
	v39 =	vmul.f32 v48, v31;
	v31 =	vadd.f32 v26, v23;
	[tilespmem:s25+$0x7840] =	vst v32;
	s25 =	smov.u32 s18;
	s18 =	smov.u32 s21;
	s21 =	smov.u32 s24  }
0xe1: {  	v14 =	vmovc v13;
	v23 =	vmovc v18;
	v18 =	vmov v22;
	s24 =	smov.u32 s19;
	s19 =	smov.u32 s5;
	v41 =	vmul.f32 v42, v36;
	v40 =	vperm.xlane v34, v1  }
0xe2: {  	v26 =	vmovc v21;
	v21 =	vmov v24;
	v32 =	vmul.f32 v33, v28;
	v13 =	vperm.xlane v35, v1  }
0xe3: {  	v24 =	vmul.f32 v46, v36;
	v22 =	vperm.xlane v39, v1;
	v45 =	vsel vm1, v19, v31;
	v19 =	vmovc v20  }
.Ltmp1:
0xe4: {  	v37 =	vperm.xlane v29, v1;
	v20 =	vmovc v38;
	v46 =	vperm.xlane v41, v1;
	v31 =	vadd.f32 v13, v35;
	(pc) =	sbr.rel @p2 .LBB2_6-.Ltmp1, $4  }
0xe5: {  	v36 =	vadd.f32 v40, v34;
	v33 =	vadd.f32 v22, v39;
	v35 =	vperm.xlane v24, v1;
	v34 =	vld [tilespmem:s25+$0x2460];
	v43 =	vpop (erf)  }
0xe6: {  	v22 =	vadd.f32 v46, v41;
	v41 =	vperm.xlane v45, v3;
	v40 =	vld [tilespmem:s19+$0x820];
	v42 =	vperm.xlane v43, v5;
	v13 =	vmovc v44  }
0xe7: {  	v38 =	vperm.xlane v32, v1;
	v24 =	vadd.f32 v35, v24;
	v35 =	vperm.xlane v43, v6;
	v39 =	vld [tilespmem:s25+$0x2450]  }
0xe8: {  	v46 =	vadd.f32 v41, v45;
	v45 =	vperm.xlane v43, v7;
	v41 =	vperm.xlane v43, v8;
	v44 =	vld [tilespmem:s25+$0x2470]  }
0xe9: {  	_ = 	snop  }
0xea: {  	v25 =	vsel vm2, v25, v46  }
0xeb: {  	v46 =	vperm.xlane v25, v4;
	_ =	sdelay $0x1  }
0xec: {  	v25 =	vadd.f32 v25, v46  }
0xed: {  	v23 =	vsel vm0, v26, v23  }
0xee: {  	v26 =	vperm.xlane v43, v9;
	v47 =	vperm.xlane v43, v12;
	v25 =	vmax.f32 v25, $-5.000000000e+00  }
0xef: {  	v53 =	vperm.xlane v43, v11;
	v52 =	vperm.xlane v23, v2;
	v25 =	vmin.f32 v25, $5.000000000e+00  }
0xf0: {  	v42 =	vmul.f32 v42, v27;
	v18 =	vsel vm0, v21, v18;
	v25 =	vmul.f32 $1.442695020e+00, v25  }
0xf1: {  	v63 =	vperm.xlane v18, v2;
	v26 =	vmul.f32 v26, v34;
	v23 =	vadd.f32 v52, v23  }
0xf2: {  	[tilespmem:s25+$0x7800] =	vst v42;
	v54 =	vmul.f32 v41, v39;
	(erf) = vpow2.f32 v25  }
0xf3: {  	v47 =	vmul.f32 v47, v44;
	[tilespmem:s25+$0x7820] =	vst v26;
	v26 =	vperm.xlane v43, v10;
	v19 =	vsel vm1, v19, v23  }
0xf4: {  	v23 =	vmul.f32 v45, v39;
	[tilespmem:s25+$0x7850] =	vst v54;
	v25 =	vperm.xlane v19, v3  }
0xf5: {  	v55 =	vmul.f32 v53, v44;
	[tilespmem:s25+$0x7870] =	vst v47  }
0xf6: {  	v18 =	vadd.f32 v63, v18;
	[tilespmem:s25+$0x7810] =	vst v23;
	v23 =	vmul.f32 v26, v34;
	v19 =	vadd.f32 v25, v19  }
0xf7: {  	[tilespmem:s25+$0x7830] =	vst v55;
	v26 =	vmul.f32 v40, v28;
	v25 =	vmul.f32 v35, v27  }
0xf8: {  	v18 =	vsel vm1, v20, v18;
	[tilespmem:s25+$0x7860] =	vst v23;
	v27 =	vadd.f32 v37, v29;
	v19 =	vsel vm2, v30, v19  }
0xf9: {  	v20 =	vsel vm0, v31, v33;
	[tilespmem:s25+$0x7840] =	vst v25;
	v25 =	vperm.xlane v26, v1;
	v23 =	vperm.xlane v19, v4  }
0xfa: {  	v44 =	vperm.xlane v18, v3;
	v29 =	vperm.xlane v16, v3;
	v27 =	vsel vm0, v36, v27;
	v28 =	vld [tilespmem:s18+$0x2460]  }
0xfb: {  	v56 =	vld [tilespmem:s18+$0x2470];
	v25 =	vadd.f32 v25, v26;
	v26 =	vperm.xlane v20, v2;
	v19 =	vadd.f32 v19, v23;
	v30 =	vpop (erf)  }
0xfc: {  	v18 =	vadd.f32 v44, v18;
	v23 =	vperm.xlane v27, v2;
	v57 =	vperm.xlane v30, v5  }
0xfd: {  	v59 =	vld [tilespmem:s18+$0x2450];
	v19 =	vmax.f32 v19, $-5.000000000e+00;
	v58 =	vperm.xlane v30, v6;
	v61 =	vperm.xlane v30, v9  }
0xfe: {  	v60 =	vperm.xlane v30, v7;
	v19 =	vmin.f32 v19, $5.000000000e+00;
	v62 =	vperm.xlane v30, v12  }
0xff: {  	v16 =	vadd.f32 v29, v16;
	v19 =	vmul.f32 $1.442695020e+00, v19;
	v21 =	vmul.f32 v61, v28  }
0x100: {  	v20 =	vadd.f32 v26, v20;
	v42 =	vperm.xlane v30, v11;
	v41 =	vmul.f32 v62, v56  }
0x101: {  	v23 =	vadd.f32 v23, v27;
	v35 =	vmul.f32 v57, v17;
	(erf) = vpow2.f32 v19;
	[tilespmem:s18+$0x7820] =	vst v21  }
0x102: {  	v16 =	vsel vm2, v16, v18;
	v43 =	vmul.f32 v60, v59;
	v19 =	vperm.xlane v30, v8;
	[tilespmem:s18+$0x7870] =	vst v41  }
0x103: {  	v18 =	vsel vm1, v20, v23;
	v23 =	vperm.xlane v16, v4;
	v31 =	vmul.f32 v42, v56;
	[tilespmem:s18+$0x7800] =	vst v35  }
0x104: {  	v30 =	vperm.xlane v30, v10;
	[tilespmem:s18+$0x7810] =	vst v43;
	v19 =	vmul.f32 v19, v59  }
0x105: {  	v17 =	vmul.f32 v58, v17;
	v16 =	vadd.f32 v16, v23;
	[tilespmem:s18+$0x7830] =	vst v31  }
0x106: {  	v21 =	vadd.f32 v38, v32;
	[tilespmem:s18+$0x7850] =	vst v19;
	v19 =	vmul.f32 v30, v28  }
0x107: {  	[tilespmem:s18+$0x7840] =	vst v17;
	v16 =	vmax.f32 v16, $-5.000000000e+00  }
0x108: {  	v16 =	vmin.f32 v16, $5.000000000e+00;
	[tilespmem:s18+$0x7860] =	vst v19  }
0x109: {  	v16 =	vmul.f32 $1.442695020e+00, v16;
	v19 =	vsel vm0, v25, v21;
	v20 =	vld [tilespmem:s21+$0x2460]  }
0x10a: {  	v17 =	vperm.xlane v19, v2;
	v27 =	vld [tilespmem:s21+$0x2470];
	v21 =	vpop (erf)  }
0x10b: {  	(erf) = vpow2.f32 v16;
	v26 =	vperm.xlane v21, v5  }
0x10c: {  	v28 =	vperm.xlane v21, v6;
	v31 =	vperm.xlane v21, v9  }
0x10d: {  	v29 =	vperm.xlane v21, v7;
	v45 =	vperm.xlane v21, v12  }
0x10e: {  	v22 =	vsel vm0, v24, v22;
	v46 =	vperm.xlane v21, v11;
	v24 =	vmul.f32 v31, v20  }
0x10f: {  	v23 =	vld [tilespmem:s21+$0x2450];
	v17 =	vadd.f32 v17, v19;
	v31 =	vperm.xlane v22, v2;
	v19 =	vmul.f32 v45, v27  }
0x110: {  	v16 =	vperm.xlane v21, v10;
	v26 =	vmul.f32 v26, v15;
	[tilespmem:s21+$0x7820] =	vst v24  }
0x111: {  	v30 =	vperm.xlane v21, v8;
	v21 =	vmul.f32 v46, v27;
	v22 =	vadd.f32 v31, v22;
	[tilespmem:s21+$0x7870] =	vst v19  }
0x112: {  	v16 =	vmul.f32 v16, v20;
	[tilespmem:s21+$0x7800] =	vst v26  }
0x113: {  	v25 =	vperm.xlane v18, v3;
	v15 =	vmul.f32 v28, v15;
	[tilespmem:s21+$0x7830] =	vst v21;
	v17 =	vsel vm1, v17, v22  }
0x114: {  	v24 =	vmul.f32 v29, v23;
	[tilespmem:s21+$0x7860] =	vst v16;
	v22 =	vperm.xlane v17, v3  }
0x115: {  	v19 =	vmul.f32 v30, v23;
	[tilespmem:s21+$0x7840] =	vst v15  }
0x116: {  	v18 =	vadd.f32 v25, v18;
	[tilespmem:s21+$0x7810] =	vst v24;
	v17 =	vadd.f32 v22, v17  }
0x117: {  	[tilespmem:s21+$0x7850] =	vst v19  }
0x118: {  	v16 =	vld [tilespmem:s24+$0x2460];
	v15 =	vsel vm2, v18, v17  }
0x119: {  	v17 =	vperm.xlane v15, v4  }
0x11a: {  	v20 =	vld [tilespmem:s24+$0x2450];
	v19 =	vpop (erf)  }
0x11b: {  	v21 =	vperm.xlane v19, v9;
	v18 =	vld [tilespmem:s24+$0x2470];
	v15 =	vadd.f32 v15, v17  }
0x11c: {  	v22 =	vperm.xlane v19, v7  }
0x11d: {  	v23 =	vperm.xlane v19, v12;
	v21 =	vmul.f32 v21, v16;
	v15 =	vmax.f32 v15, $-5.000000000e+00  }
0x11e: {  	v24 =	vperm.xlane v19, v8;
	v17 =	vperm.xlane v19, v5;
	v15 =	vmin.f32 v15, $5.000000000e+00  }
0x11f: {  	[tilespmem:s24+$0x7820] =	vst v21;
	v21 =	vmul.f32 v22, v20;
	v15 =	vmul.f32 $1.442695020e+00, v15  }
0x120: {  	v25 =	vperm.xlane v19, v11;
	v23 =	vmul.f32 v23, v18  }
0x121: {  	v17 =	vmul.f32 v17, v14;
	[tilespmem:s24+$0x7810] =	vst v21;
	(erf) = vpow2.f32 v15  }
0x122: {  	v18 =	vmul.f32 v25, v18;
	[tilespmem:s24+$0x7870] =	vst v23;
	v15 =	vperm.xlane v19, v10  }
0x123: {  	[tilespmem:s24+$0x7800] =	vst v17;
	v17 =	vmul.f32 v24, v20;
	v19 =	vperm.xlane v19, v6  }
0x124: {  	[tilespmem:s24+$0x7830] =	vst v18;
	v15 =	vmul.f32 v15, v16  }
0x125: {  	[tilespmem:s24+$0x7850] =	vst v17;
	v14 =	vmul.f32 v19, v14  }
0x126: {  	[tilespmem:s24+$0x7860] =	vst v15  }
0x127: {  	[tilespmem:s24+$0x7840] =	vst v14  }
0x128: {  	v14 =	vld [tilespmem:s19+$0x2460]  }
0x129: {  	v15 =	vld [tilespmem:s19+$0x2470]  }
0x12a: {  	v16 =	vpop (erf)  }
0x12b: {  	v17 =	vld [tilespmem:s19+$0x2450];
	v18 =	vperm.xlane v16, v9  }
0x12c: {  	v19 =	vperm.xlane v16, v12  }
0x12d: {  	v20 =	vperm.xlane v16, v5;
	v18 =	vmul.f32 v18, v14  }
0x12e: {  	v21 =	vperm.xlane v16, v7;
	v19 =	vmul.f32 v19, v15  }
0x12f: {  	v22 =	vperm.xlane v16, v8;
	v20 =	vmul.f32 v20, v13;
	[tilespmem:s19+$0x7820] =	vst v18  }
0x130: {  	v21 =	vmul.f32 v21, v17;
	v18 =	vperm.xlane v16, v11;
	[tilespmem:s19+$0x7870] =	vst v19  }
0x131: {  	v17 =	vmul.f32 v22, v17;
	v19 =	vperm.xlane v16, v10;
	[tilespmem:s19+$0x7800] =	vst v20  }
0x132: {  	v16 =	vperm.xlane v16, v6;
	[tilespmem:s19+$0x7810] =	vst v21;
	v15 =	vmul.f32 v18, v15  }
0x133: {  	[tilespmem:s19+$0x7850] =	vst v17;
	v14 =	vmul.f32 v19, v14  }
0x134: {  	v13 =	vmul.f32 v16, v13;
	[tilespmem:s19+$0x7830] =	vst v15  }
0x135: {  	s5 =	sand.u32 $0x3FFFFF00, s17;
	[tilespmem:s19+$0x7860] =	vst v14  }
0x136: {  	p2 =	seq.s32 s15, $0x3;
	s5 =	sadd.s32 $0x400, s5;
	[tilespmem:s19+$0x7840] =	vst v13  }
0x137: {  	[spmem:s4] =	stream.indirect.scatter.add.f32 [tilespmem:s26], [sflag:$0x3], $0x80, s5, s30, $0xb8;
	[tilespmem:$0x1E880] =	vst v63  }
0x138: {  	s6 =	simm.s32 @!p2 $0x32;
	s18 =	simm.s32 @!p2 $0x2400;
	s5 =	sadd.s32 @!p2 $0x100, s17  }
0x139: {  	[tilespmem:s18], [sflag:$0x1] =	stream.indirect.gather @!p2 [hbm4b:s22+s6], $0x80, s5, s6, $0xb8;
	[tilespmem:$0x1E880] =	vst v63  }
0x13a: {  	s5 =	sadd.s32 @!p2 $0x500, s17;
	s17 =	simm.s32 @!p2 $0x800  }
0x13b: {  	[tilespmem:s17], [sflag:$0x1] =	stream.indirect.gather @!p2 [hbm4b:s23+s6], $0x80, s5, s6, $0xb8;
	[tilespmem:$0x1E880] =	vst v63  }
0x13c: {  	_ =	swait.ge [sflag:s9], $0x1900  }
0x13d: {  	[sflag:s9] =	ssyncset.done $0x0  }
0x13e: {  	[sflag:s9] =	ssyncadd.s32 $0xFFFFE700  }
0x13f: {  	_ =	swait.ge [sflag:s9], $0x1900  }
0x140: {  	[sflag:s9] =	ssyncset.done $0x0  }
0x141: {  	s5 =	simm.s32 @!p1 $0x4;
	[sflag:s9] =	ssyncadd.s32 $0xFFFFE700  }
0x142: {  	_ =	swait.ge @!p1 [sflag:s5], $0x1900  }
0x143: {  	[sflag:s5] =	ssyncset.done @!p1 $0x0  }
0x144: {  	s24 =	simm.s32 $0x0;
	[sflag:s5] =	ssyncadd.s32 @!p1 $0xFFFFE700  }
0x145: {  	v13 =	vld [tilespmem:s24+$0x4040]  }
0x146: {  	v14 =	vld [tilespmem:s24+$0x4010]  }
0x147: {  	v15 =	vld [tilespmem:s24+$0x4060]  }
0x148: {  	v16 =	vld [tilespmem:s24+$0x4050]  }
0x149: {  	v18 =	vld [tilespmem:s24+$0x4070]  }
0x14a: {  	v19 =	vld [tilespmem:s24+$0x4000]  }
0x14b: {  	v20 =	vld [tilespmem:s24+$0x5C10]  }
0x14c: {  	v21 =	vld [tilespmem:s24+$0x5C00]  }
0x14d: {  	v22 =	vld [tilespmem:s24+$0x5C30]  }
0x14e: {  	v23 =	vld [tilespmem:s24+$0x5C20]  }
0x14f: {  	v24 =	vld [tilespmem:s24+$0x4020]  }
0x150: {  	v17 =	vld [tilespmem:s24+$0x4030]  }
0x151: {  	s17 =	simm.s32 $0x80;
	v14 =	vmul.f32 v14, v20  }
0x152: {  	v26 =	vld [tilespmem:s17+$0x4060];
	v16 =	vmul.f32 v16, v20;
	v19 =	vmul.f32 v19, v21  }
0x153: {  	v28 =	vld [tilespmem:s17+$0x4050];
	v13 =	vmul.f32 v13, v21;
	v18 =	vmul.f32 v18, v22  }
0x154: {  	v31 =	vld [tilespmem:s17+$0x5C10];
	v15 =	vmul.f32 v15, v23;
	v23 =	vmul.f32 v24, v23  }
0x155: {  	v20 =	vld [tilespmem:s17+$0x4040];
	v17 =	vmul.f32 v17, v22;
	v25 =	vperm.xlane v14, v1  }
0x156: {  	v21 =	vld [tilespmem:s17+$0x4010];
	v27 =	vperm.xlane v19, v1;
	v29 =	vperm.xlane v16, v1  }
0x157: {  	v24 =	vld [tilespmem:s17+$0x4070];
	v22 =	vperm.xlane v13, v1;
	v30 =	vperm.xlane v15, v1  }
0x158: {  	v14 =	vadd.f32 v25, v14;
	v25 =	vld [tilespmem:s17+$0x4000];
	v16 =	vadd.f32 v29, v16;
	v29 =	vperm.xlane v23, v1  }
0x159: {  	v19 =	vadd.f32 v27, v19;
	v27 =	vperm.xlane v18, v1;
	v13 =	vadd.f32 v22, v13;
	v22 =	vld [tilespmem:s17+$0x5C00]  }
0x15a: {  	v15 =	vadd.f32 v30, v15;
	v30 =	vld [tilespmem:s17+$0x5C20];
	v14 =	vsel vm0, v14, v16;
	v16 =	vadd.f32 v29, v23  }
0x15b: {  	v21 =	vmul.f32 v21, v31;
	v23 =	vld [tilespmem:s17+$0x5C30];
	v13 =	vsel vm0, v19, v13;
	v19 =	vperm.xlane v14, v2  }
0x15c: {  	v18 =	vadd.f32 v27, v18;
	v27 =	vperm.xlane v13, v2;
	v15 =	vsel vm0, v16, v15  }
0x15d: {  	v29 =	vperm.xlane v17, v1;
	v16 =	vld [tilespmem:s17+$0x4020];
	v14 =	vadd.f32 v19, v14;
	v19 =	vperm.xlane v15, v2  }
0x15e: {  	v47 =	vld [tilespmem:s17+$0x4030];
	v13 =	vadd.f32 v27, v13;
	v27 =	vmul.f32 v28, v31;
	v25 =	vmul.f32 v25, v22  }
0x15f: {  	s18 =	simm.s32 $0x100;
	v17 =	vadd.f32 v29, v17;
	v20 =	vmul.f32 v20, v22;
	v26 =	vmul.f32 v26, v30  }
0x160: {  	v49 =	vld [tilespmem:s18+$0x4000];
	v22 =	vmul.f32 v24, v23;
	v13 =	vsel vm1, v13, v14;
	v14 =	vperm.xlane v21, v1  }
0x161: {  	v29 =	vld [tilespmem:s18+$0x4050];
	v15 =	vadd.f32 v19, v15;
	v19 =	vperm.xlane v27, v1;
	v31 =	vperm.xlane v20, v1  }
0x162: {  	v28 =	vld [tilespmem:s18+$0x4010];
	v48 =	vperm.xlane v26, v1;
	v16 =	vmul.f32 v16, v30  }
0x163: {  	v24 =	vld [tilespmem:s18+$0x4040];
	v23 =	vmul.f32 v47, v23;
	v30 =	vperm.xlane v25, v1  }
0x164: {  	v14 =	vadd.f32 v14, v21;
	v21 =	vld [tilespmem:s18+$0x4070];
	v19 =	vadd.f32 v19, v27;
	v27 =	vperm.xlane v16, v1  }
0x165: {  	v52 =	vperm.xlane v13, v3;
	v20 =	vadd.f32 v31, v20;
	v25 =	vadd.f32 v30, v25;
	v30 =	vld [tilespmem:s18+$0x5C10]  }
0x166: {  	v26 =	vadd.f32 v48, v26;
	v14 =	vsel vm0, v14, v19;
	v19 =	vld [tilespmem:s18+$0x5C00];
	v16 =	vadd.f32 v27, v16  }
0x167: {  	v31 =	vld [tilespmem:s18+$0x5C30];
	v27 =	vperm.xlane v22, v1;
	v20 =	vsel vm0, v25, v20;
	v25 =	vperm.xlane v14, v2  }
0x168: {  	v50 =	vld [tilespmem:s18+$0x4060];
	v32 =	vperm.xlane v23, v1;
	v51 =	vperm.xlane v20, v2  }
0x169: {  	v16 =	vsel vm0, v16, v26;
	v22 =	vadd.f32 v27, v22;
	v14 =	vadd.f32 v25, v14;
	v26 =	vld [tilespmem:s18+$0x5C20]  }
0x16a: {  	v27 =	vld [tilespmem:s18+$0x4030];
	v25 =	vperm.xlane v16, v2;
	v20 =	vadd.f32 v51, v20;
	v28 =	vmul.f32 v28, v30  }
0x16b: {  	v32 =	vadd.f32 v32, v23;
	v23 =	vmul.f32 v29, v30;
	v29 =	vmul.f32 v49, v19;
	v30 =	vld [tilespmem:s18+$0x4020]  }
0x16c: {  	v19 =	vmul.f32 v24, v19;
	v14 =	vsel vm1, v20, v14;
	v20 =	vmul.f32 v21, v31  }
0x16d: {  	s21 =	simm.s32 $0x180;
	v24 =	vadd.f32 v25, v16;
	v16 =	vperm.xlane v28, v1;
	v21 =	vperm.xlane v29, v1  }
0x16e: {  	v54 =	vld [tilespmem:s21+$0x4010];
	v17 =	vsel vm0, v17, v18;
	v53 =	vperm.xlane v19, v1;
	v40 =	vperm.xlane v14, v3  }
0x16f: {  	v58 =	vld [tilespmem:s21+$0x4000];
	v33 =	vmul.f32 v50, v26;
	v21 =	vadd.f32 v21, v29;
	v29 =	vperm.xlane v23, v1  }
0x170: {  	v61 =	vld [tilespmem:s21+$0x5C00];
	v27 =	vmul.f32 v27, v31;
	v19 =	vadd.f32 v53, v19;
	v26 =	vmul.f32 v30, v26  }
0x171: {  	v25 =	vld [tilespmem:s21+$0x4040];
	v16 =	vadd.f32 v16, v28;
	v55 =	vperm.xlane v33, v1;
	v23 =	vadd.f32 v29, v23  }
0x172: {  	v18 =	vsel vm0, v21, v19;
	v19 =	vld [tilespmem:s21+$0x5C10];
	v21 =	vperm.xlane v17, v2;
	v57 =	vperm.xlane v26, v1  }
0x173: {  	v56 =	vperm.xlane v20, v1;
	v28 =	vld [tilespmem:s21+$0x4070];
	v60 =	vperm.xlane v18, v2;
	v29 =	vadd.f32 v55, v33  }
0x174: {  	v30 =	vld [tilespmem:s21+$0x4050];
	v16 =	vsel vm0, v16, v23;
	v17 =	vadd.f32 v21, v17;
	v26 =	vadd.f32 v57, v26  }
0x175: {  	v62 =	vperm.xlane v27, v1;
	v23 =	vadd.f32 v56, v20;
	v20 =	vld [tilespmem:s21+$0x5C30];
	v59 =	vperm.xlane v16, v2  }
0x176: {  	v42 =	vld [tilespmem:s21+$0x4020];
	v18 =	vadd.f32 v60, v18;
	v15 =	vsel vm1, v15, v17;
	v21 =	vsel vm0, v26, v29  }
0x177: {  	v31 =	vld [tilespmem:s21+$0x4060];
	v16 =	vadd.f32 v59, v16;
	v26 =	vadd.f32 v62, v27;
	v27 =	vmul.f32 v54, v19  }
0x178: {  	v17 =	vld [tilespmem:s21+$0x4030];
	v41 =	vperm.xlane v15, v3;
	v63 =	vperm.xlane v21, v2  }
0x179: {  	s19 =	simm.s32 $0x200;
	v29 =	vld [tilespmem:s21+$0x5C20];
	v37 =	vsel vm1, v18, v16;
	v16 =	vmul.f32 v30, v19;
	v18 =	vmul.f32 v58, v61  }
0x17a: {  	v13 =	vadd.f32 v52, v13;
	v53 =	vld [tilespmem:s19+$0x5C30];
	v30 =	vmul.f32 v25, v61;
	v28 =	vmul.f32 v28, v20  }
0x17b: {  	v54 =	vld [tilespmem:s19+$0x4030];
	v15 =	vadd.f32 v41, v15;
	v19 =	vadd.f32 v63, v21;
	v21 =	vperm.xlane v27, v1  }
0x17c: {  	v25 =	vadd.f32 v40, v14;
	v43 =	vperm.xlane v18, v1;
	v44 =	vperm.xlane v30, v1  }
0x17d: {  	v13 =	vsel vm2, v13, v15;
	v14 =	vmul.f32 v17, v20;
	v20 =	vperm.xlane v16, v1  }
0x17e: {  	v31 =	vmul.f32 v31, v29;
	v17 =	vperm.xlane v13, v4  }
0x17f: {  	v51 =	vld [tilespmem:s19+$0x5C00];
	v29 =	vmul.f32 v42, v29;
	v21 =	vadd.f32 v21, v27;
	v18 =	vadd.f32 v43, v18  }
0x180: {  	v15 =	vld [tilespmem:s19+$0x4040];
	v59 =	vmul.f32 v54, v53;
	v30 =	vadd.f32 v44, v30;
	v16 =	vadd.f32 v20, v16  }
0x181: {  	v45 =	vld [tilespmem:s19+$0x4010];
	v50 =	vperm.xlane v14, v1;
	v46 =	vperm.xlane v31, v1;
	v13 =	vadd.f32 v13, v17  }
0x182: {  	v47 =	vld [tilespmem:s19+$0x4060];
	v17 =	vperm.xlane v28, v1;
	v62 =	vperm.xlane v59, v1  }
0x183: {  	v48 =	vld [tilespmem:s19+$0x4070];
	v30 =	vsel vm0, v18, v30;
	v16 =	vsel vm0, v21, v16;
	v13 =	vmax.f32 v13, $-5.000000000e+00  }
0x184: {  	v49 =	vld [tilespmem:s19+$0x4000];
	v27 =	vadd.f32 v46, v31;
	v31 =	vperm.xlane v29, v1;
	v13 =	vmin.f32 v13, $5.000000000e+00  }
0x185: {  	v18 =	vadd.f32 v17, v28;
	v28 =	vld [tilespmem:s19+$0x5C20];
	v56 =	vmul.f32 v15, v51;
	v13 =	vmul.f32 $1.442695020e+00, v13  }
0x186: {  	v17 =	vperm.xlane v30, v2;
	v21 =	vadd.f32 v31, v29;
	v29 =	vperm.xlane v16, v2;
	v31 =	vld [tilespmem:s19+$0x5C10]  }
0x187: {  	v22 =	vsel vm0, v32, v22;
	v20 =	vld [tilespmem:s19+$0x4050];
	v60 =	vperm.xlane v56, v1;
	(erf) = vpow2.f32 v13  }
0x188: {  	v52 =	vsel vm0, v21, v27;
	v16 =	vadd.f32 v29, v16;
	v13 =	vadd.f32 v17, v30  }
0x189: {  	v21 =	vadd.f32 v50, v14;
	v14 =	vperm.xlane v37, v3;
	v30 =	vperm.xlane v22, v2  }
0x18a: {  	v34 =	vld [tilespmem:s24+$0x5C60];
	v17 =	vperm.xlane v52, v2;
	v32 =	vmul.f32 v47, v28;
	v16 =	vsel vm1, v13, v16  }
0x18b: {  	v39 =	vld [tilespmem:s24+$0x5C50];
	v13 =	vadd.f32 v30, v22;
	v22 =	vmul.f32 v48, v53;
	v55 =	vmul.f32 v45, v31  }
0x18c: {  	v40 =	vld [tilespmem:s19+$0x4020];
	v33 =	vadd.f32 v60, v56;
	v29 =	vmul.f32 v20, v31;
	v31 =	vmul.f32 v49, v51  }
0x18d: {  	v44 =	vld [tilespmem:s24+$0x5C70];
	v30 =	vadd.f32 v14, v37;
	v61 =	vsel vm1, v24, v13;
	v24 =	vperm.xlane v22, v1  }
0x18e: {  	v15 =	vld [tilespmem:s18+$0x5C40];
	v20 =	vadd.f32 v17, v52;
	v38 =	vperm.xlane v32, v1;
	v58 =	vperm.xlane v31, v1  }
0x18f: {  	v27 =	vld [tilespmem:s24+$0x5C40];
	v57 =	vperm.xlane v55, v1;
	v37 =	vperm.xlane v29, v1;
	v22 =	vadd.f32 v24, v22  }
0x190: {  	v14 =	vld [tilespmem:s21+$0x5C40];
	v63 =	vperm.xlane v61, v3;
	v24 =	vadd.f32 v62, v59;
	v31 =	vadd.f32 v58, v31;
	v43 =	vpop (erf)  }
0x191: {  	v17 =	vld [tilespmem:s17+$0x5C40];
	v36 =	vadd.f32 v57, v55;
	v42 =	vperm.xlane v43, v5;
	v35 =	vperm.xlane v43, v6  }
0x192: {  	s6 =	simm.s32 $0xA00;
	v13 =	vld [tilespmem:s19+$0x5C40];
	v46 =	vadd.f32 v63, v61;
	v45 =	vperm.xlane v43, v7;
	v41 =	vperm.xlane v43, v8  }
.LBB2_8:
0x193: {  	s5 =	sshra.s32 s6, $0x2;
	p1 =	sne.s32 s6, $0x6200;
	s6 =	sadd.s32 $0x200, s6;
	v32 =	vadd.f32 v38, v32;
	v38 =	vperm.xlane v43, v9;
	v47 =	vperm.xlane v43, v10  }
0x194: {  	v49 =	vperm.xlane v43, v11;
	v43 =	vperm.xlane v43, v12;
	v48 =	vld [tilespmem:s5+$0x4040];
	v46 =	vsel vm2, v25, v46;
	v25 =	vmovc v30  }
0x195: {  	v30 =	vsel vm0, v31, v33;
	v50 =	vld [tilespmem:s5+$0x4010];
	v28 =	vmul.f32 v40, v28;
	v31 =	vperm.xlane v46, v4  }
0x196: {  	v29 =	vadd.f32 v37, v29;
	v38 =	vmul.f32 v38, v34;
	v33 =	vld [tilespmem:s5+$0x4060];
	v37 =	vmul.f32 v45, v39  }
0x197: {  	v40 =	vld [tilespmem:s5+$0x4050];
	v45 =	vperm.xlane v28, v1;
	v31 =	vadd.f32 v46, v31;
	v43 =	vmul.f32 v43, v44  }
0x198: {  	v29 =	vsel vm0, v36, v29;
	v36 =	vmul.f32 v42, v27;
	v46 =	vld [tilespmem:s5+$0x4030];
	[tilespmem:s24+$0x9420] =	vst v38;
	v38 =	vmul.f32 v49, v44  }
0x199: {  	v44 =	vperm.xlane v29, v2;
	v42 =	vld [tilespmem:s5+$0x4070];
	v28 =	vadd.f32 v45, v28;
	v31 =	vmax.f32 v31, $-5.000000000e+00;
	[tilespmem:s24+$0x9470] =	vst v43  }
0x19a: {  	v45 =	vperm.xlane v30, v2;
	v43 =	vld [tilespmem:s5+$0x4000];
	v31 =	vmin.f32 v31, $5.000000000e+00;
	[tilespmem:s24+$0x9400] =	vst v36;
	v36 =	vmul.f32 v41, v39  }
0x19b: {  	v29 =	vadd.f32 v44, v29;
	v39 =	vld [tilespmem:s5+$0x5C10];
	v32 =	vsel vm0, v28, v32;
	v28 =	vmul.f32 $1.442695020e+00, v31;
	[tilespmem:s24+$0x9410] =	vst v37  }
0x19c: {  	v34 =	vmul.f32 v47, v34;
	v30 =	vadd.f32 v45, v30;
	v31 =	vld [tilespmem:s5+$0x5C00];
	v37 =	vperm.xlane v32, v2;
	[tilespmem:s24+$0x9450] =	vst v36  }
0x19d: {  	v41 =	vperm.xlane v16, v3;
	v36 =	vld [tilespmem:s5+$0x5C30];
	(erf) = vpow2.f32 v28;
	[tilespmem:s24+$0x9430] =	vst v38  }
0x19e: {  	v23 =	vsel vm0, v26, v23;
	v29 =	vsel vm1, v30, v29;
	v28 =	vld [tilespmem:s5+$0x5C20];
	v38 =	vadd.f32 v37, v32;
	[tilespmem:s24+$0x9460] =	vst v34  }
0x19f: {  	v26 =	vperm.xlane v23, v2;
	v30 =	vadd.f32 v41, v16;
	v32 =	vmul.f32 v35, v27;
	v16 =	vmovc v29;
	v44 =	vld [tilespmem:s5+$0x5C40]  }
0x1a0: {  	v27 =	vmovc v17;
	v17 =	vmovc v15;
	v15 =	vmov v14;
	v34 =	vmul.f32 v50, v39;
	v29 =	vmul.f32 v40, v39  }
0x1a1: {  	v35 =	vmul.f32 v43, v31;
	v39 =	vmul.f32 v48, v31;
	v31 =	vadd.f32 v26, v23;
	[tilespmem:s24+$0x9440] =	vst v32;
	s24 =	smov.u32 s17;
	s17 =	smov.u32 s18;
	s18 =	smov.u32 s21  }
0x1a2: {  	v14 =	vmovc v13;
	v23 =	vmovc v18;
	v18 =	vmov v22;
	s21 =	smov.u32 s19;
	s19 =	smov.u32 s5;
	v41 =	vmul.f32 v42, v36;
	v40 =	vperm.xlane v34, v1  }
0x1a3: {  	v26 =	vmovc v21;
	v21 =	vmov v24;
	v32 =	vmul.f32 v33, v28;
	v13 =	vperm.xlane v35, v1  }
0x1a4: {  	v24 =	vmul.f32 v46, v36;
	v22 =	vperm.xlane v39, v1;
	v45 =	vsel vm1, v19, v31;
	v19 =	vmovc v20  }
.Ltmp2:
0x1a5: {  	v37 =	vperm.xlane v29, v1;
	v20 =	vmovc v38;
	v46 =	vperm.xlane v41, v1;
	v31 =	vadd.f32 v13, v35;
	(pc) =	sbr.rel @p1 .LBB2_8-.Ltmp2, $4  }
0x1a6: {  	v36 =	vadd.f32 v40, v34;
	v33 =	vadd.f32 v22, v39;
	v35 =	vperm.xlane v24, v1;
	v34 =	vld [tilespmem:s24+$0x5C60];
	v43 =	vpop (erf)  }
0x1a7: {  	v22 =	vadd.f32 v46, v41;
	v41 =	vperm.xlane v45, v3;
	v40 =	vld [tilespmem:s19+$0x4020];
	v42 =	vperm.xlane v43, v5;
	v13 =	vmovc v44  }
0x1a8: {  	v38 =	vperm.xlane v32, v1;
	v24 =	vadd.f32 v35, v24;
	v35 =	vperm.xlane v43, v6;
	v39 =	vld [tilespmem:s24+$0x5C50]  }
0x1a9: {  	v46 =	vadd.f32 v41, v45;
	v45 =	vperm.xlane v43, v7;
	v41 =	vperm.xlane v43, v8;
	v44 =	vld [tilespmem:s24+$0x5C70]  }
0x1aa: {  	_ = 	snop  }
0x1ab: {  	v25 =	vsel vm2, v25, v46  }
0x1ac: {  	v23 =	vsel vm0, v26, v23;
	v46 =	vperm.xlane v25, v4  }
0x1ad: {  	v58 =	vperm.xlane v23, v2  }
0x1ae: {  	v25 =	vadd.f32 v25, v46  }
0x1af: {  	v57 =	vperm.xlane v43, v9;
	v23 =	vadd.f32 v58, v23  }
0x1b0: {  	v47 =	vperm.xlane v43, v12;
	v42 =	vmul.f32 v42, v27;
	v25 =	vmax.f32 v25, $-5.000000000e+00  }
0x1b1: {  	v26 =	vmul.f32 v57, v34;
	v19 =	vsel vm1, v19, v23;
	v25 =	vmin.f32 v25, $5.000000000e+00  }
0x1b2: {  	v61 =	vperm.xlane v19, v3;
	v25 =	vmul.f32 $1.442695020e+00, v25  }
0x1b3: {  	v62 =	vperm.xlane v43, v10;
	[tilespmem:s24+$0x9400] =	vst v42;
	v60 =	vmul.f32 v45, v39  }
0x1b4: {  	v63 =	vmul.f32 v41, v39;
	[tilespmem:s24+$0x9420] =	vst v26;
	v19 =	vadd.f32 v61, v19;
	(erf) = vpow2.f32 v25  }
0x1b5: {  	v59 =	vperm.xlane v43, v11;
	v45 =	vmul.f32 v62, v34;
	[tilespmem:s24+$0x9410] =	vst v60  }
0x1b6: {  	v47 =	vmul.f32 v47, v44;
	[tilespmem:s24+$0x9450] =	vst v63;
	v19 =	vsel vm2, v30, v19  }
0x1b7: {  	v18 =	vsel vm0, v21, v18;
	v44 =	vmul.f32 v59, v44;
	[tilespmem:s24+$0x9460] =	vst v45;
	v48 =	vperm.xlane v19, v4  }
0x1b8: {  	v62 =	vperm.xlane v18, v2;
	v46 =	vmul.f32 v35, v27;
	[tilespmem:s24+$0x9470] =	vst v47  }
0x1b9: {  	v52 =	vperm.xlane v16, v3;
	v22 =	vsel vm0, v24, v22;
	[tilespmem:s24+$0x9430] =	vst v44;
	v19 =	vadd.f32 v19, v48  }
0x1ba: {  	v26 =	vmul.f32 v40, v28;
	v40 =	vadd.f32 v38, v32;
	v18 =	vadd.f32 v62, v18;
	[tilespmem:s24+$0x9440] =	vst v46  }
0x1bb: {  	v38 =	vperm.xlane v22, v2;
	v47 =	vadd.f32 v37, v29;
	v50 =	vld [tilespmem:s17+$0x5C60];
	v19 =	vmax.f32 v19, $-5.000000000e+00  }
0x1bc: {  	v49 =	vperm.xlane v26, v1;
	v54 =	vld [tilespmem:s17+$0x5C70];
	v18 =	vsel vm1, v20, v18;
	v19 =	vmin.f32 v19, $5.000000000e+00  }
0x1bd: {  	v27 =	vsel vm0, v36, v47;
	v46 =	vperm.xlane v18, v3;
	v19 =	vmul.f32 $1.442695020e+00, v19;
	v53 =	vpop (erf)  }
0x1be: {  	v57 =	vld [tilespmem:s17+$0x5C50];
	v51 =	vperm.xlane v27, v2;
	v59 =	vperm.xlane v53, v9  }
0x1bf: {  	(erf) = vpow2.f32 v19;
	v60 =	vperm.xlane v53, v12  }
0x1c0: {  	v55 =	vperm.xlane v53, v5;
	v61 =	vmul.f32 v59, v50  }
0x1c1: {  	v58 =	vperm.xlane v53, v7;
	v41 =	vmul.f32 v60, v54  }
0x1c2: {  	v16 =	vadd.f32 v52, v16;
	v63 =	vperm.xlane v53, v8;
	v35 =	vmul.f32 v55, v17;
	[tilespmem:s17+$0x9420] =	vst v61  }
0x1c3: {  	v18 =	vadd.f32 v46, v18;
	v42 =	vperm.xlane v53, v11;
	v43 =	vmul.f32 v58, v57;
	[tilespmem:s17+$0x9470] =	vst v41  }
0x1c4: {  	v25 =	vadd.f32 v49, v26;
	v30 =	vperm.xlane v53, v10;
	v19 =	vmul.f32 v63, v57;
	[tilespmem:s17+$0x9400] =	vst v35  }
0x1c5: {  	v16 =	vsel vm2, v16, v18;
	v56 =	vperm.xlane v53, v6;
	v45 =	vmul.f32 v42, v54;
	[tilespmem:s17+$0x9410] =	vst v43  }
0x1c6: {  	v44 =	vsel vm0, v31, v33;
	v48 =	vmul.f32 v30, v50;
	v55 =	vperm.xlane v16, v4;
	[tilespmem:s17+$0x9450] =	vst v19  }
0x1c7: {  	v47 =	vperm.xlane v44, v2;
	v49 =	vmul.f32 v56, v17;
	v50 =	vsel vm0, v25, v40;
	[tilespmem:s17+$0x9430] =	vst v45  }
0x1c8: {  	v23 =	vadd.f32 v51, v27;
	v51 =	vperm.xlane v50, v2;
	[tilespmem:s17+$0x9460] =	vst v48;
	v16 =	vadd.f32 v16, v55  }
0x1c9: {  	v20 =	vadd.f32 v47, v44;
	[tilespmem:s17+$0x9440] =	vst v49  }
0x1ca: {  	v22 =	vadd.f32 v38, v22;
	v53 =	vld [tilespmem:s18+$0x5C60];
	v17 =	vadd.f32 v51, v50;
	v16 =	vmax.f32 v16, $-5.000000000e+00  }
0x1cb: {  	v52 =	vsel vm1, v20, v23;
	v58 =	vld [tilespmem:s18+$0x5C70];
	v16 =	vmin.f32 v16, $5.000000000e+00  }
0x1cc: {  	v56 =	vperm.xlane v52, v3;
	v17 =	vsel vm1, v17, v22;
	v54 =	vpop (erf);
	v16 =	vmul.f32 $1.442695020e+00, v16  }
0x1cd: {  	v61 =	vld [tilespmem:s18+$0x5C50];
	v22 =	vperm.xlane v17, v3;
	v63 =	vperm.xlane v54, v9  }
0x1ce: {  	v57 =	vperm.xlane v54, v5;
	v36 =	vperm.xlane v54, v12  }
0x1cf: {  	v60 =	vperm.xlane v54, v7;
	v37 =	vmul.f32 v63, v53  }
0x1d0: {  	v62 =	vperm.xlane v54, v8;
	v39 =	vmul.f32 v36, v58  }
0x1d1: {  	v40 =	vperm.xlane v54, v11;
	v26 =	vmul.f32 v57, v15;
	[tilespmem:s18+$0x9420] =	vst v37  }
0x1d2: {  	(erf) = vpow2.f32 v16;
	v41 =	vmul.f32 v60, v61;
	[tilespmem:s18+$0x9470] =	vst v39  }
0x1d3: {  	v42 =	vperm.xlane v54, v10;
	v43 =	vmul.f32 v62, v61;
	[tilespmem:s18+$0x9400] =	vst v26  }
0x1d4: {  	v59 =	vperm.xlane v54, v6;
	v44 =	vmul.f32 v40, v58;
	[tilespmem:s18+$0x9410] =	vst v41  }
0x1d5: {  	v16 =	vmul.f32 v42, v53;
	[tilespmem:s18+$0x9450] =	vst v43  }
0x1d6: {  	v18 =	vadd.f32 v56, v52;
	v17 =	vadd.f32 v22, v17;
	v15 =	vmul.f32 v59, v15;
	[tilespmem:s18+$0x9430] =	vst v44  }
0x1d7: {  	[tilespmem:s18+$0x9460] =	vst v16  }
0x1d8: {  	[tilespmem:s18+$0x9440] =	vst v15;
	v15 =	vsel vm2, v18, v17  }
0x1d9: {  	v16 =	vld [tilespmem:s21+$0x5C60];
	v17 =	vperm.xlane v15, v4  }
0x1da: {  	v45 =	vld [tilespmem:s21+$0x5C70]  }
0x1db: {  	v15 =	vadd.f32 v15, v17;
	v46 =	vpop (erf)  }
0x1dc: {  	v48 =	vld [tilespmem:s21+$0x5C50];
	v47 =	vperm.xlane v46, v5;
	v49 =	vperm.xlane v46, v9  }
0x1dd: {  	v15 =	vmax.f32 v15, $-5.000000000e+00;
	v50 =	vperm.xlane v46, v7;
	v51 =	vperm.xlane v46, v12  }
0x1de: {  	v15 =	vmin.f32 v15, $5.000000000e+00;
	v52 =	vperm.xlane v46, v8;
	v21 =	vmul.f32 v49, v16  }
0x1df: {  	v15 =	vmul.f32 $1.442695020e+00, v15;
	v23 =	vmul.f32 v51, v45  }
0x1e0: {  	v53 =	vperm.xlane v46, v11;
	v17 =	vmul.f32 v47, v14;
	[tilespmem:s21+$0x9420] =	vst v21  }
0x1e1: {  	v54 =	vmul.f32 v50, v48;
	(erf) = vpow2.f32 v15;
	[tilespmem:s21+$0x9470] =	vst v23  }
0x1e2: {  	v19 =	vperm.xlane v46, v6;
	v55 =	vmul.f32 v52, v48;
	[tilespmem:s21+$0x9400] =	vst v17  }
0x1e3: {  	v15 =	vperm.xlane v46, v10;
	v18 =	vmul.f32 v53, v45;
	[tilespmem:s21+$0x9410] =	vst v54  }
0x1e4: {  	v14 =	vmul.f32 v19, v14;
	[tilespmem:s21+$0x9450] =	vst v55  }
0x1e5: {  	v15 =	vmul.f32 v15, v16;
	[tilespmem:s21+$0x9430] =	vst v18  }
0x1e6: {  	[tilespmem:s21+$0x9440] =	vst v14  }
0x1e7: {  	[tilespmem:s21+$0x9460] =	vst v15  }
0x1e8: {  	v14 =	vld [tilespmem:s19+$0x5C60]  }
0x1e9: {  	v15 =	vld [tilespmem:s19+$0x5C70]  }
0x1ea: {  	v56 =	vpop (erf)  }
0x1eb: {  	v17 =	vld [tilespmem:s19+$0x5C50];
	v57 =	vperm.xlane v56, v9  }
0x1ec: {  	v58 =	vperm.xlane v56, v12  }
0x1ed: {  	v59 =	vperm.xlane v56, v5;
	v18 =	vmul.f32 v57, v14  }
0x1ee: {  	v60 =	vperm.xlane v56, v7;
	v19 =	vmul.f32 v58, v15  }
0x1ef: {  	v61 =	vperm.xlane v56, v8;
	v20 =	vmul.f32 v59, v13;
	[tilespmem:s19+$0x9420] =	vst v18  }
0x1f0: {  	v62 =	vperm.xlane v56, v11;
	v21 =	vmul.f32 v60, v17;
	[tilespmem:s19+$0x9470] =	vst v19  }
0x1f1: {  	s15 =	sadd.s32 $0x1, s15;
	v63 =	vperm.xlane v56, v10;
	v17 =	vmul.f32 v61, v17;
	[tilespmem:s19+$0x9400] =	vst v20  }
0x1f2: {  	p1 =	sne.s32 s15, $0x4;
	v16 =	vperm.xlane v56, v6;
	v15 =	vmul.f32 v62, v15;
	[tilespmem:s19+$0x9410] =	vst v21  }
.Ltmp3:
0x1f3: {  	v14 =	vmul.f32 v63, v14;
	[tilespmem:s19+$0x9450] =	vst v17;
	(pc) =	sbr.rel @p1 .LBB2_5-.Ltmp3, $4  }
0x1f4: {  	v13 =	vmul.f32 v16, v13;
	[tilespmem:s19+$0x9430] =	vst v15  }
0x1f5: {  	[tilespmem:s19+$0x9460] =	vst v14  }
0x1f6: {  	[tilespmem:s19+$0x9440] =	vst v13  }
0x1f7: {  	[spmem:s4] =	stream.indirect.scatter.add.f32 [tilespmem:s10], [sflag:$0x4], $0x80, s16, s30, $0xb8;
	[tilespmem:$0x1E880] =	vst v63  }
0x1f8: {  	s14 =	sadd.s32 $0x1, s14  }
0x1f9: {  	_ =	swait.ge [sflag:s11], $0x1900;
	p1 =	sne.s32 s14, $0x32  }
.Ltmp4:
0x1fa: {  	[sflag:s11] =	ssyncset.done $0x0;
	(pc) =	sbr.rel @p1 .LBB2_4-.Ltmp4, $4  }
0x1fb: {  	[sflag:s11] =	ssyncadd.s32 $0xFFFFE700  }
0x1fc: {  	_ =	swait.ge [sflag:s12], $0x1900  }
0x1fd: {  	[sflag:s12] =	ssyncset.done $0x0  }
0x1fe: {  	[sflag:s12] =	ssyncadd.s32 $0xFFFFE700  }
0x1ff: {  	s5 =	stileid.u32;
	[bflag:$0x0] =	sbarrier.arrive $0xFFFF  }
0x200: {  	s5 =	sshll.u32 s5, $0x6;
	s14 =	rddreg [dreg:$0x6]  }
0x201: {  	s13 =	rddreg [dreg:$0x14];
	s5 =	sor.u32 $0x1C05, s5;
	s6 =	sshrl.u32 s14, $0x3  }
0x202: {  	[hbm:s13], [sflag:s5] =	dma.local [spmem:s6], $0x2700  }
0x203: {  	_ =	swait.ge [sflag:s28], $0x2700  }
0x204: {  	[sflag:s28] =	ssyncset.done $0x0;
	s15 =	rddreg [dreg:$0x13]  }
0x205: {  	s13 =	rddreg [dreg:$0x15];
	[sflag:s28] =	ssyncadd.s32 $0xFFFFD900;
	s6 =	sshrl.u32 @!p0 s15, $0x3  }
0x206: {  	[hbm:s13], [sflag:s5] =	dma.local @!p0 [spmem:s6], $0x100  }
0x207: {  	s5 =	simm.s32 @!p0 $0x5  }
0x208: {  	_ =	swait.ge @!p0 [sflag:s5], $0x100  }
0x209: {  	s24 =	rddreg [dreg:$0x5]  }
0x20a: {  	s25 =	rddreg [dreg:$0x16];
	s13 =	sadd.s32 $0x1, s24  }
0x20b: {  	p1 =	sne.s32 s13, s25  }
.Ltmp5:
0x20c: {  	_ = 	snop;
	(pc) =	sbr.rel @p1 .LBB2_1-.Ltmp5, $3  }
0x20d: {  	_ =	sdelay $0x1  }
0x20e: {  	[sflag:s5] =	ssyncset.done @!p0 $0x0  }
0x20f: {  	[sflag:s5] =	ssyncadd.s32 @!p0 $0xFFFFFF00  }
0x210: {  	_ =	sfence.sel $0x180000  }
0x211: {  	[bflag:$0x0] =	sbarrier.arrive $0xFFFF  }
0x212: {  	_ =	strace $0x90000047  }
0x213: {  	s0 =	stileid.u32;
	[bflag:$0x2] =	sbarrier.arrive $0xFFFF  }
0x214: {  	p0 =	sne.s32 s0, $0x0;
	s0 =	rddreg [dreg:$0x4]  }
0x215: {  	s0 =	sadd.s32 @!p0 $0x100000, s0  }
0x216: {  	[sflag:s0] =	ssyncadd.tile.s32 @!p0 $0x1;
	_ =	shalt  }
.Lfunc_end2:
_tile_overlayer_lowered:
.L_overlay_start_2:
0x217: {  	(tag) =	ssettag $0x2  }
0x218: {  	s0 =	rddreg [dreg:$0x0];
	s2 =	stileid.u32  }
0x219: {  	s1 =	rddreg [dreg:$0x1];
	p0 =	sne.s32 s2, $0x0  }
0x21a: {  	s3 =	rddreg [dreg:$0x2];
	[bflag:$0x3] =	sbarrier.arrive $0xFFFF;
	s2 =	simm.s32 @!p0 $0x1C05  }
0x21b: {  	[timem:s3], [sflag:s2] =	dma.local @!p0 [hbm:s0], s1  }
0x21c: {  	s0 =	simm.s32 @!p0 $0x5  }
0x21d: {  	_ =	swait.ge @!p0 [sflag:s0], s1  }
0x21e: {  	s1 =	ssub.s32 @!p0 $0x0, s1;
	[sflag:s0] =	ssyncset.done @!p0 $0x0  }
0x21f: {  	[sflag:s0] =	ssyncadd.s32 @!p0 s1  }
0x220: {  	[bflag:$0x3] =	sbarrier.arrive $0xFFFF  }
0x221: {  	_ =	shalt  }

</sc_bundles>
